<compile_context>
chip_gen: v7x
topology: tpu7x:2x2x1
jax: 0.10.2.dev20260603
libtpu: 0.0.44.dev20260713+nightly
codegen_flags: <defaults>
</compile_context>

<pallas_src>
import functools

import jax
import jax.numpy as jnp
from jax import lax
from jax.experimental import pallas as pl
from jax.experimental.pallas import tpu as pltpu
from jax.experimental.pallas import tpu_sc as plsc

N_ROWS = 8388608
NUM_CORES = 2
NUM_SUBCORES = 16
NUM_WORKERS = NUM_CORES * NUM_SUBCORES
ROWS_PER_WORKER = N_ROWS // NUM_WORKERS
CHUNK = 16384
NUM_CHUNKS = ROWS_PER_WORKER // CHUNK
GROUPS = CHUNK // 128
LANES = 16


def _compute_chunk(xin, yout, s0, s1):

    @plsc.parallel_loop(0, GROUPS, unroll=8)
    def group_body(g):
        bi = g * 256
        bo = g * 128
        for j in range(128 // LANES):
            a = xin[pl.ds(bi + j * LANES, LANES)]
            b = xin[pl.ds(bi + 128 + j * LANES, LANES)]
            d = b - a
            z = jnp.where(d > s0, jnp.where(d > s1, 4, 2), 1)
            yout[pl.ds(bo + j * LANES, LANES)] = z


def _sc_body(x_hbm, s0_hbm, s1_hbm, out_hbm, xins, youts, s0_ref, s1_ref,
             in_sems, out_sems):
    cid = lax.axis_index("c")
    sid = lax.axis_index("s")
    wid = sid * NUM_CORES + cid
    base_row = wid * ROWS_PER_WORKER

    def in_copy(k, buf):
        row0 = base_row + k * CHUNK
        return pltpu.make_async_copy(
            x_hbm.at[pl.ds(row0 * 2, CHUNK * 2)], xins[buf], in_sems[buf]
        )

    def out_copy(k, buf):
        row0 = base_row + k * CHUNK
        return pltpu.make_async_copy(
            youts[buf],
            out_hbm.at[pl.ds(row0, CHUNK)],
            out_sems[buf],
        )

    in_copy(0, 0).start()
    pltpu.sync_copy(s0_hbm, s0_ref)
    pltpu.sync_copy(s1_hbm, s1_ref)
    s0 = s0_ref[:]
    s1 = s1_ref[:]

    def pair_body(m, carry):
        for buf in (0, 1):
            k = m * 2 + buf

            @pl.when(k + 1 < NUM_CHUNKS)
            def _():
                in_copy(k + 1, 1 - buf).start()

            in_copy(k, buf).wait()

            @pl.when(m > 0)
            def _():
                out_copy(k - 2, buf).wait()

            _compute_chunk(xins[buf], youts[buf], s0, s1)
            out_copy(k, buf).start()
        return carry

    lax.fori_loop(0, NUM_CHUNKS // 2, pair_body, 0)
    out_copy(NUM_CHUNKS - 2, 0).wait()
    out_copy(NUM_CHUNKS - 1, 1).wait()


@functools.partial(
    pl.kernel,
    out_type=jax.ShapeDtypeStruct((N_ROWS,), jnp.int32),
    mesh=plsc.VectorSubcoreMesh(core_axis_name="c", subcore_axis_name="s"),
    compiler_params=pltpu.CompilerParams(needs_layout_passes=False),
    scratch_types=[
        [pltpu.VMEM((CHUNK * 2,), jnp.float32) for _ in range(2)],
        [pltpu.VMEM((CHUNK,), jnp.int32) for _ in range(2)],
        pltpu.VMEM((LANES,), jnp.float32),
        pltpu.VMEM((LANES,), jnp.float32),
        [pltpu.SemaphoreType.DMA for _ in range(2)],
        [pltpu.SemaphoreType.DMA for _ in range(2)],
    ],
)
def _sc_kernel(x_hbm, s0_hbm, s1_hbm, out_hbm, xins, youts, s0_ref, s1_ref,
               in_sems, out_sems):
    _sc_body(x_hbm, s0_hbm, s1_hbm, out_hbm, xins, youts, s0_ref, s1_ref,
             in_sems, out_sems)


def kernel(coordinates, splits):
    x = coordinates.reshape(N_ROWS // 128, 128, 2).transpose(0, 2, 1).reshape(-1)
    s0 = jnp.broadcast_to(splits[0], (LANES,))
    s1 = jnp.broadcast_to(splits[1], (LANES,))
    y = _sc_kernel(x, s0, s1)
    return (y[:, None] >> jnp.arange(3, dtype=jnp.int32)[None, :]) & 1

# --- scband reference (transcript-rebuilt; emitter-appended) ---
"""Pipeline reference for scband-split-distance-encoding-75969381532161 (READ-ONLY COPY).

The authoritative reference and input builder live on the scoring server;
editing this copy changes nothing except your own understanding.
"""

import jax, jax.numpy as jnp
import numpy as np


def setup_inputs(seed: int = 0) -> dict:
    key = jax.random.key(seed)
    # coordinates: fill=rand scaled to [0, 400) so distances span all 3 bins
    coordinates = jax.random.uniform(key, (8388608, 2), dtype=jnp.float32) * 400.0
    # buffer from init_kwargs splits=[60, 170]
    splits = jnp.array([60.0, 170.0], dtype=jnp.float32)
    return {"coordinates": coordinates, "splits": splits}


def reference(coordinates, splits):
    # distance between the two coordinate columns
    dist = coordinates[:, 1] - coordinates[:, 0]
    # torch.searchsorted default (right=False) == jnp.searchsorted side='left'
    idx = jnp.searchsorted(splits, dist, side='left')
    n_embedding_dimensions = splits.shape[0] + 1
    # torch F.one_hot returns integer one-hot
    return jax.nn.one_hot(idx, n_embedding_dimensions, dtype=jnp.int32)

if __name__ == "__main__":
    import jax
    _d = setup_inputs()
    print(jax.jit(kernel)(*tuple(_d.values())))

</pallas_src>

<mosaic_0001>
#map = affine_map<(d0, d1) -> (0)>
module attributes {stable_mosaic.version = 14 : i64} {
  func.func @_sc_kernel(%arg0: i32, %arg1: i32, %arg2: memref<16777216xf32, #tpu.memory_space<hbm>>, %arg3: memref<16xf32, #tpu.memory_space<hbm>>, %arg4: memref<16xf32, #tpu.memory_space<hbm>>, %arg5: memref<8388608xi32, #tpu.memory_space<hbm>>, %arg6: memref<32768xf32, #tpu.memory_space<vmem>>, %arg7: memref<32768xf32, #tpu.memory_space<vmem>>, %arg8: memref<16384xi32, #tpu.memory_space<vmem>>, %arg9: memref<16384xi32, #tpu.memory_space<vmem>>, %arg10: memref<16xf32, #tpu.memory_space<vmem>>, %arg11: memref<16xf32, #tpu.memory_space<vmem>>, %arg12: memref<!tpu.dma_semaphore, #tpu.memory_space<semaphore_mem>>, %arg13: memref<!tpu.dma_semaphore, #tpu.memory_space<semaphore_mem>>, %arg14: memref<!tpu.dma_semaphore, #tpu.memory_space<semaphore_mem>>, %arg15: memref<!tpu.dma_semaphore, #tpu.memory_space<semaphore_mem>>) attributes {dimension_semantics = [#tpu.dimension_semantics<core_parallel>, #tpu.dimension_semantics<subcore_parallel>], iteration_bounds = array<i64: 2, 16>, scalar_prefetch = 0 : i64, scratch_operands = 10 : i64, tpu.core_type = #tpu.core_type<sc_vector_subcore>, window_params = [{transform_indices = #map}, {transform_indices = #map}, {transform_indices = #map}, {transform_indices = #map}]} {
    %mul3A = arith.constant 2 : i32
    %mul3A_0 = arith.muli %arg1, %mul3A : i32
    %add3A = arith.addi %mul3A_0, %arg0 : i32
    %mul3A_1 = arith.constant 262144 : i32
    %mul3A_2 = arith.muli %add3A, %mul3A_1 : i32
    %add3A_3 = arith.constant 0 : i32
    %add3A_4 = arith.addi %mul3A_2, %add3A_3 : i32
    %mul3A_5 = arith.constant 2 : i32
    %mul3A_6 = arith.muli %add3A_4, %mul3A_5 : i32
    %dma_start3A = tpu.memref_slice %arg2[%mul3A_6] : memref<16777216xf32, #tpu.memory_space<hbm>> -> memref<32768xf32, #tpu.memory_space<hbm>>
    %dma_start3A_7 = tpu.memref_slice %arg2[%mul3A_6] : memref<16777216xf32, #tpu.memory_space<hbm>> -> memref<32768xf32, #tpu.memory_space<hbm>>
    tpu.enqueue_dma source(%dma_start3A_7 : memref<32768xf32, #tpu.memory_space<hbm>>) target(%arg6 : memref<32768xf32, #tpu.memory_space<vmem>>) target_semaphore(%arg12 : memref<!tpu.dma_semaphore, #tpu.memory_space<semaphore_mem>>)
    "tpu.region"() ({
      %run_scoped3A = tpu.sem_alloc : memref<!tpu.dma_semaphore, #tpu.memory_space<semaphore_mem>>
      tpu.enqueue_dma source(%arg3 : memref<16xf32, #tpu.memory_space<hbm>>) target(%arg10 : memref<16xf32, #tpu.memory_space<vmem>>) target_semaphore(%run_scoped3A : memref<!tpu.dma_semaphore, #tpu.memory_space<semaphore_mem>>)
      tpu.wait_dma2 semaphore(%run_scoped3A : memref<!tpu.dma_semaphore, #tpu.memory_space<semaphore_mem>>) src(%arg3 : memref<16xf32, #tpu.memory_space<hbm>>) dst(%arg10 : memref<16xf32, #tpu.memory_space<vmem>>)
      tpu.yield
    }) : () -> ()
    "tpu.region"() ({
      %run_scoped3A = tpu.sem_alloc : memref<!tpu.dma_semaphore, #tpu.memory_space<semaphore_mem>>
      tpu.enqueue_dma source(%arg4 : memref<16xf32, #tpu.memory_space<hbm>>) target(%arg11 : memref<16xf32, #tpu.memory_space<vmem>>) target_semaphore(%run_scoped3A : memref<!tpu.dma_semaphore, #tpu.memory_space<semaphore_mem>>)
      tpu.wait_dma2 semaphore(%run_scoped3A : memref<!tpu.dma_semaphore, #tpu.memory_space<semaphore_mem>>) src(%arg4 : memref<16xf32, #tpu.memory_space<hbm>>) dst(%arg11 : memref<16xf32, #tpu.memory_space<vmem>>)
      tpu.yield
    }) : () -> ()
    %get3A = arith.constant 0 : index
    %get3A_8 = tpu.vector_load %arg10[%get3A] {strides = array<i32>} : memref<16xf32, #tpu.memory_space<vmem>>, vector<16xf32>,
    %get3A_9 = arith.constant 0 : index
    %get3A_10 = tpu.vector_load %arg11[%get3A_9] {strides = array<i32>} : memref<16xf32, #tpu.memory_space<vmem>>, vector<16xf32>,
    %scan3A = arith.constant 0 : i32
    %scan3A_11 = arith.constant 0 : i32
    %scan3A_12 = arith.constant 8 : i32
    %scan3A_13 = arith.addi %scan3A_11, %scan3A_12 : i32
    %scan3A_14 = arith.constant 1 : i32
    scf.for %scan3A_23 = %scan3A_11 to %scan3A_13 step %scan3A_14  : i32 {
      %mul3A_24 = arith.constant 2 : i32
      %mul3A_25 = arith.muli %scan3A_23, %mul3A_24 : i32
      %add3A_26 = arith.constant 0 : i32
      %add3A_27 = arith.addi %mul3A_25, %add3A_26 : i32
      %add3A_28 = arith.constant 1 : i32
      %add3A_29 = arith.addi %add3A_27, %add3A_28 : i32
      %lt3A = arith.constant 16 : i32
      %lt3A_30 = arith.cmpi slt, %add3A_29, %lt3A : i32
      %convert_element_type3A = arith.extui %lt3A_30 : i1 to i32
      %cond3A = arith.constant 0 : i32
      %cond3A_31 = arith.cmpi ne, %convert_element_type3A, %cond3A : i32
      scf.if %cond3A_31 {
        %add3A_81 = arith.constant 1 : i32
        %add3A_82 = arith.addi %add3A_27, %add3A_81 : i32
        %mul3A_83 = arith.constant 16384 : i32
        %mul3A_84 = arith.muli %add3A_82, %mul3A_83 : i32
        %add3A_85 = arith.addi %mul3A_2, %mul3A_84 : i32
        %mul3A_86 = arith.constant 2 : i32
        %mul3A_87 = arith.muli %add3A_85, %mul3A_86 : i32
        %dma_start3A_88 = tpu.memref_slice %arg2[%mul3A_87] : memref<16777216xf32, #tpu.memory_space<hbm>> -> memref<32768xf32, #tpu.memory_space<hbm>>
        %dma_start3A_89 = tpu.memref_slice %arg2[%mul3A_87] : memref<16777216xf32, #tpu.memory_space<hbm>> -> memref<32768xf32, #tpu.memory_space<hbm>>
        tpu.enqueue_dma source(%dma_start3A_89 : memref<32768xf32, #tpu.memory_space<hbm>>) target(%arg7 : memref<32768xf32, #tpu.memory_space<vmem>>) target_semaphore(%arg13 : memref<!tpu.dma_semaphore, #tpu.memory_space<semaphore_mem>>)
      } else {
      }
      %mul3A_32 = arith.constant 16384 : i32
      %mul3A_33 = arith.muli %add3A_27, %mul3A_32 : i32
      %add3A_34 = arith.addi %mul3A_2, %mul3A_33 : i32
      %mul3A_35 = arith.constant 2 : i32
      %mul3A_36 = arith.muli %add3A_34, %mul3A_35 : i32
      %dma_wait3A_37 = tpu.memref_slice %arg2[%mul3A_36] : memref<16777216xf32, #tpu.memory_space<hbm>> -> memref<32768xf32, #tpu.memory_space<hbm>>
      %dma_wait3A_38 = tpu.memref_slice %arg2[%mul3A_36] : memref<16777216xf32, #tpu.memory_space<hbm>> -> memref<32768xf32, #tpu.memory_space<hbm>>
      tpu.wait_dma2 semaphore(%arg12 : memref<!tpu.dma_semaphore, #tpu.memory_space<semaphore_mem>>) src(%dma_wait3A_38 : memref<32768xf32, #tpu.memory_space<hbm>>) dst(%arg6 : memref<32768xf32, #tpu.memory_space<vmem>>)
      %gt3A = arith.constant 0 : i32
      %gt3A_39 = arith.cmpi sgt, %scan3A_23, %gt3A : i32
      %convert_element_type3A_40 = arith.extui %gt3A_39 : i1 to i32
      %cond3A_41 = arith.constant 0 : i32
      %cond3A_42 = arith.cmpi ne, %convert_element_type3A_40, %cond3A_41 : i32
      scf.if %cond3A_42 {
        %sub3A = arith.constant 2 : i32
        %sub3A_81 = arith.subi %add3A_27, %sub3A : i32
        %mul3A_82 = arith.constant 16384 : i32
        %mul3A_83 = arith.muli %sub3A_81, %mul3A_82 : i32
        %add3A_84 = arith.addi %mul3A_2, %mul3A_83 : i32
        %dma_wait3A_85 = tpu.memref_slice %arg5[%add3A_84] : memref<8388608xi32, #tpu.memory_space<hbm>> -> memref<16384xi32, #tpu.memory_space<hbm>>
        %dma_wait3A_86 = tpu.memref_slice %arg5[%add3A_84] : memref<8388608xi32, #tpu.memory_space<hbm>> -> memref<16384xi32, #tpu.memory_space<hbm>>
        tpu.wait_dma2 semaphore(%arg14 : memref<!tpu.dma_semaphore, #tpu.memory_space<semaphore_mem>>) src(%arg8 : memref<16384xi32, #tpu.memory_space<vmem>>) dst(%dma_wait3A_86 : memref<16384xi32, #tpu.memory_space<hbm>>)
      } else {
      }
      %parallel_loop3A = arith.constant 0 : i32
      %parallel_loop3A_43 = arith.constant 128 : i32
      %parallel_loop3A_44 = arith.constant 1 : i32
      scf.for %parallel_loop3A_81 = %parallel_loop3A to %parallel_loop3A_43 step %parallel_loop3A_44  : i32 {
        %parallel_loop3A_82 = arith.constant 256 : i32
        %parallel_loop3A_83 = arith.muli %parallel_loop3A_81, %parallel_loop3A_82 : i32
        %parallel_loop3A_84 = arith.constant 128 : i32
        %parallel_loop3A_85 = arith.muli %parallel_loop3A_81, %parallel_loop3A_84 : i32
        %parallel_loop3A_86 = arith.constant 0 : i32
        %parallel_loop3A_87 = arith.addi %parallel_loop3A_83, %parallel_loop3A_86 : i32
        %parallel_loop3A_88 = arith.index_cast %parallel_loop3A_87 : i32 to index
        %parallel_loop3A_89 = tpu.vector_load %arg6[%parallel_loop3A_88] {strides = array<i32>} : memref<32768xf32, #tpu.memory_space<vmem>>, vector<16xf32>,
        %parallel_loop3A_90 = arith.constant 128 : i32
        %parallel_loop3A_91 = arith.addi %parallel_loop3A_83, %parallel_loop3A_90 : i32
        %parallel_loop3A_92 = arith.constant 0 : i32
        %parallel_loop3A_93 = arith.addi %parallel_loop3A_91, %parallel_loop3A_92 : i32
        %parallel_loop3A_94 = arith.index_cast %parallel_loop3A_93 : i32 to index
        %parallel_loop3A_95 = tpu.vector_load %arg6[%parallel_loop3A_94] {strides = array<i32>} : memref<32768xf32, #tpu.memory_space<vmem>>, vector<16xf32>,
        %parallel_loop3A_96 = arith.subf %parallel_loop3A_95, %parallel_loop3A_89 : vector<16xf32>
        %parallel_loop3A_97 = arith.cmpf ogt, %parallel_loop3A_96, %get3A_8 : vector<16xf32>
        %parallel_loop3A_98 = arith.cmpf ogt, %parallel_loop3A_96, %get3A_10 : vector<16xf32>
        %parallel_loop3A_99 = arith.constant 4 : i32
        %parallel_loop3A_100 = arith.constant 2 : i32
        %parallel_loop3A_101 = vector.broadcast %parallel_loop3A_99 : i32 to vector<16xi32>
        %parallel_loop3A_102 = vector.broadcast %parallel_loop3A_100 : i32 to vector<16xi32>
        %parallel_loop3A_103 = arith.select %parallel_loop3A_98, %parallel_loop3A_101, %parallel_loop3A_102 : vector<16xi1>, vector<16xi32>
        %parallel_loop3A_104 = arith.constant 1 : i32
        %parallel_loop3A_105 = vector.broadcast %parallel_loop3A_104 : i32 to vector<16xi32>
        %parallel_loop3A_106 = arith.select %parallel_loop3A_97, %parallel_loop3A_103, %parallel_loop3A_105 : vector<16xi1>, vector<16xi32>
        %parallel_loop3A_107 = arith.constant 0 : i32
        %parallel_loop3A_108 = arith.addi %parallel_loop3A_85, %parallel_loop3A_107 : i32
        %parallel_loop3A_109 = arith.index_cast %parallel_loop3A_108 : i32 to index
        %parallel_loop3A_110 = tpu.vector_load %arg8[%parallel_loop3A_109] {strides = array<i32>} : memref<16384xi32, #tpu.memory_space<vmem>>, vector<16xi32>,
        tpu.vector_store %arg8[%parallel_loop3A_109], %parallel_loop3A_106 {strides = array<i32>} : memref<16384xi32, #tpu.memory_space<vmem>>, vector<16xi32>,
        %parallel_loop3A_111 = arith.constant 16 : i32
        %parallel_loop3A_112 = arith.addi %parallel_loop3A_83, %parallel_loop3A_111 : i32
        %parallel_loop3A_113 = arith.index_cast %parallel_loop3A_112 : i32 to index
        %parallel_loop3A_114 = tpu.vector_load %arg6[%parallel_loop3A_113] {strides = array<i32>} : memref<32768xf32, #tpu.memory_space<vmem>>, vector<16xf32>,
        %parallel_loop3A_115 = arith.constant 128 : i32
        %parallel_loop3A_116 = arith.addi %parallel_loop3A_83, %parallel_loop3A_115 : i32
        %parallel_loop3A_117 = arith.constant 16 : i32
        %parallel_loop3A_118 = arith.addi %parallel_loop3A_116, %parallel_loop3A_117 : i32
        %parallel_loop3A_119 = arith.index_cast %parallel_loop3A_118 : i32 to index
        %parallel_loop3A_120 = tpu.vector_load %arg6[%parallel_loop3A_119] {strides = array<i32>} : memref<32768xf32, #tpu.memory_space<vmem>>, vector<16xf32>,
        %parallel_loop3A_121 = arith.subf %parallel_loop3A_120, %parallel_loop3A_114 : vector<16xf32>
        %parallel_loop3A_122 = arith.cmpf ogt, %parallel_loop3A_121, %get3A_8 : vector<16xf32>
        %parallel_loop3A_123 = arith.cmpf ogt, %parallel_loop3A_121, %get3A_10 : vector<16xf32>
        %parallel_loop3A_124 = arith.constant 4 : i32
        %parallel_loop3A_125 = arith.constant 2 : i32
        %parallel_loop3A_126 = vector.broadcast %parallel_loop3A_124 : i32 to vector<16xi32>
        %parallel_loop3A_127 = vector.broadcast %parallel_loop3A_125 : i32 to vector<16xi32>
        %parallel_loop3A_128 = arith.select %parallel_loop3A_123, %parallel_loop3A_126, %parallel_loop3A_127 : vector<16xi1>, vector<16xi32>
        %parallel_loop3A_129 = arith.constant 1 : i32
        %parallel_loop3A_130 = vector.broadcast %parallel_loop3A_129 : i32 to vector<16xi32>
        %parallel_loop3A_131 = arith.select %parallel_loop3A_122, %parallel_loop3A_128, %parallel_loop3A_130 : vector<16xi1>, vector<16xi32>
        %parallel_loop3A_132 = arith.constant 16 : i32
        %parallel_loop3A_133 = arith.addi %parallel_loop3A_85, %parallel_loop3A_132 : i32
        %parallel_loop3A_134 = arith.index_cast %parallel_loop3A_133 : i32 to index
        %parallel_loop3A_135 = tpu.vector_load %arg8[%parallel_loop3A_134] {strides = array<i32>} : memref<16384xi32, #tpu.memory_space<vmem>>, vector<16xi32>,
        tpu.vector_store %arg8[%parallel_loop3A_134], %parallel_loop3A_131 {strides = array<i32>} : memref<16384xi32, #tpu.memory_space<vmem>>, vector<16xi32>,
        %parallel_loop3A_136 = arith.constant 32 : i32
        %parallel_loop3A_137 = arith.addi %parallel_loop3A_83, %parallel_loop3A_136 : i32
        %parallel_loop3A_138 = arith.index_cast %parallel_loop3A_137 : i32 to index
        %parallel_loop3A_139 = tpu.vector_load %arg6[%parallel_loop3A_138] {strides = array<i32>} : memref<32768xf32, #tpu.memory_space<vmem>>, vector<16xf32>,
        %parallel_loop3A_140 = arith.constant 128 : i32
        %parallel_loop3A_141 = arith.addi %parallel_loop3A_83, %parallel_loop3A_140 : i32
        %parallel_loop3A_142 = arith.constant 32 : i32
        %parallel_loop3A_143 = arith.addi %parallel_loop3A_141, %parallel_loop3A_142 : i32
        %parallel_loop3A_144 = arith.index_cast %parallel_loop3A_143 : i32 to index
        %parallel_loop3A_145 = tpu.vector_load %arg6[%parallel_loop3A_144] {strides = array<i32>} : memref<32768xf32, #tpu.memory_space<vmem>>, vector<16xf32>,
        %parallel_loop3A_146 = arith.subf %parallel_loop3A_145, %parallel_loop3A_139 : vector<16xf32>
        %parallel_loop3A_147 = arith.cmpf ogt, %parallel_loop3A_146, %get3A_8 : vector<16xf32>
        %parallel_loop3A_148 = arith.cmpf ogt, %parallel_loop3A_146, %get3A_10 : vector<16xf32>
        %parallel_loop3A_149 = arith.constant 4 : i32
        %parallel_loop3A_150 = arith.constant 2 : i32
        %parallel_loop3A_151 = vector.broadcast %parallel_loop3A_149 : i32 to vector<16xi32>
        %parallel_loop3A_152 = vector.broadcast %parallel_loop3A_150 : i32 to vector<16xi32>
        %parallel_loop3A_153 = arith.select %parallel_loop3A_148, %parallel_loop3A_151, %parallel_loop3A_152 : vector<16xi1>, vector<16xi32>
        %parallel_loop3A_154 = arith.constant 1 : i32
        %parallel_loop3A_155 = vector.broadcast %parallel_loop3A_154 : i32 to vector<16xi32>
        %parallel_loop3A_156 = arith.select %parallel_loop3A_147, %parallel_loop3A_153, %parallel_loop3A_155 : vector<16xi1>, vector<16xi32>
        %parallel_loop3A_157 = arith.constant 32 : i32
        %parallel_loop3A_158 = arith.addi %parallel_loop3A_85, %parallel_loop3A_157 : i32
        %parallel_loop3A_159 = arith.index_cast %parallel_loop3A_158 : i32 to index
        %parallel_loop3A_160 = tpu.vector_load %arg8[%parallel_loop3A_159] {strides = array<i32>} : memref<16384xi32, #tpu.memory_space<vmem>>, vector<16xi32>,
        tpu.vector_store %arg8[%parallel_loop3A_159], %parallel_loop3A_156 {strides = array<i32>} : memref<16384xi32, #tpu.memory_space<vmem>>, vector<16xi32>,
        %parallel_loop3A_161 = arith.constant 48 : i32
        %parallel_loop3A_162 = arith.addi %parallel_loop3A_83, %parallel_loop3A_161 : i32
        %parallel_loop3A_163 = arith.index_cast %parallel_loop3A_162 : i32 to index
        %parallel_loop3A_164 = tpu.vector_load %arg6[%parallel_loop3A_163] {strides = array<i32>} : memref<32768xf32, #tpu.memory_space<vmem>>, vector<16xf32>,
        %parallel_loop3A_165 = arith.constant 128 : i32
        %parallel_loop3A_166 = arith.addi %parallel_loop3A_83, %parallel_loop3A_165 : i32
        %parallel_loop3A_167 = arith.constant 48 : i32
        %parallel_loop3A_168 = arith.addi %parallel_loop3A_166, %parallel_loop3A_167 : i32
        %parallel_loop3A_169 = arith.index_cast %parallel_loop3A_168 : i32 to index
        %parallel_loop3A_170 = tpu.vector_load %arg6[%parallel_loop3A_169] {strides = array<i32>} : memref<32768xf32, #tpu.memory_space<vmem>>, vector<16xf32>,
        %parallel_loop3A_171 = arith.subf %parallel_loop3A_170, %parallel_loop3A_164 : vector<16xf32>
        %parallel_loop3A_172 = arith.cmpf ogt, %parallel_loop3A_171, %get3A_8 : vector<16xf32>
        %parallel_loop3A_173 = arith.cmpf ogt, %parallel_loop3A_171, %get3A_10 : vector<16xf32>
        %parallel_loop3A_174 = arith.constant 4 : i32
        %parallel_loop3A_175 = arith.constant 2 : i32
        %parallel_loop3A_176 = vector.broadcast %parallel_loop3A_174 : i32 to vector<16xi32>
        %parallel_loop3A_177 = vector.broadcast %parallel_loop3A_175 : i32 to vector<16xi32>
        %parallel_loop3A_178 = arith.select %parallel_loop3A_173, %parallel_loop3A_176, %parallel_loop3A_177 : vector<16xi1>, vector<16xi32>
        %parallel_loop3A_179 = arith.constant 1 : i32
        %parallel_loop3A_180 = vector.broadcast %parallel_loop3A_179 : i32 to vector<16xi32>
        %parallel_loop3A_181 = arith.select %parallel_loop3A_172, %parallel_loop3A_178, %parallel_loop3A_180 : vector<16xi1>, vector<16xi32>
        %parallel_loop3A_182 = arith.constant 48 : i32
        %parallel_loop3A_183 = arith.addi %parallel_loop3A_85, %parallel_loop3A_182 : i32
        %parallel_loop3A_184 = arith.index_cast %parallel_loop3A_183 : i32 to index
        %parallel_loop3A_185 = tpu.vector_load %arg8[%parallel_loop3A_184] {strides = array<i32>} : memref<16384xi32, #tpu.memory_space<vmem>>, vector<16xi32>,
        tpu.vector_store %arg8[%parallel_loop3A_184], %parallel_loop3A_181 {strides = array<i32>} : memref<16384xi32, #tpu.memory_space<vmem>>, vector<16xi32>,
        %parallel_loop3A_186 = arith.constant 64 : i32
        %parallel_loop3A_187 = arith.addi %parallel_loop3A_83, %parallel_loop3A_186 : i32
        %parallel_loop3A_188 = arith.index_cast %parallel_loop3A_187 : i32 to index
        %parallel_loop3A_189 = tpu.vector_load %arg6[%parallel_loop3A_188] {strides = array<i32>} : memref<32768xf32, #tpu.memory_space<vmem>>, vector<16xf32>,
        %parallel_loop3A_190 = arith.constant 128 : i32
        %parallel_loop3A_191 = arith.addi %parallel_loop3A_83, %parallel_loop3A_190 : i32
        %parallel_loop3A_192 = arith.constant 64 : i32
        %parallel_loop3A_193 = arith.addi %parallel_loop3A_191, %parallel_loop3A_192 : i32
        %parallel_loop3A_194 = arith.index_cast %parallel_loop3A_193 : i32 to index
        %parallel_loop3A_195 = tpu.vector_load %arg6[%parallel_loop3A_194] {strides = array<i32>} : memref<32768xf32, #tpu.memory_space<vmem>>, vector<16xf32>,
        %parallel_loop3A_196 = arith.subf %parallel_loop3A_195, %parallel_loop3A_189 : vector<16xf32>
        %parallel_loop3A_197 = arith.cmpf ogt, %parallel_loop3A_196, %get3A_8 : vector<16xf32>
        %parallel_loop3A_198 = arith.cmpf ogt, %parallel_loop3A_196, %get3A_10 : vector<16xf32>
        %parallel_loop3A_199 = arith.constant 4 : i32
        %parallel_loop3A_200 = arith.constant 2 : i32
        %parallel_loop3A_201 = vector.broadcast %parallel_loop3A_199 : i32 to vector<16xi32>
        %parallel_loop3A_202 = vector.broadcast %parallel_loop3A_200 : i32 to vector<16xi32>
        %parallel_loop3A_203 = arith.select %parallel_loop3A_198, %parallel_loop3A_201, %parallel_loop3A_202 : vector<16xi1>, vector<16xi32>
        %parallel_loop3A_204 = arith.constant 1 : i32
        %parallel_loop3A_205 = vector.broadcast %parallel_loop3A_204 : i32 to vector<16xi32>
        %parallel_loop3A_206 = arith.select %parallel_loop3A_197, %parallel_loop3A_203, %parallel_loop3A_205 : vector<16xi1>, vector<16xi32>
        %parallel_loop3A_207 = arith.constant 64 : i32
        %parallel_loop3A_208 = arith.addi %parallel_loop3A_85, %parallel_loop3A_207 : i32
        %parallel_loop3A_209 = arith.index_cast %parallel_loop3A_208 : i32 to index
        %parallel_loop3A_210 = tpu.vector_load %arg8[%parallel_loop3A_209] {strides = array<i32>} : memref<16384xi32, #tpu.memory_space<vmem>>, vector<16xi32>,
        tpu.vector_store %arg8[%parallel_loop3A_209], %parallel_loop3A_206 {strides = array<i32>} : memref<16384xi32, #tpu.memory_space<vmem>>, vector<16xi32>,
        %parallel_loop3A_211 = arith.constant 80 : i32
        %parallel_loop3A_212 = arith.addi %parallel_loop3A_83, %parallel_loop3A_211 : i32
        %parallel_loop3A_213 = arith.index_cast %parallel_loop3A_212 : i32 to index
        %parallel_loop3A_214 = tpu.vector_load %arg6[%parallel_loop3A_213] {strides = array<i32>} : memref<32768xf32, #tpu.memory_space<vmem>>, vector<16xf32>,
        %parallel_loop3A_215 = arith.constant 128 : i32
        %parallel_loop3A_216 = arith.addi %parallel_loop3A_83, %parallel_loop3A_215 : i32
        %parallel_loop3A_217 = arith.constant 80 : i32
        %parallel_loop3A_218 = arith.addi %parallel_loop3A_216, %parallel_loop3A_217 : i32
        %parallel_loop3A_219 = arith.index_cast %parallel_loop3A_218 : i32 to index
        %parallel_loop3A_220 = tpu.vector_load %arg6[%parallel_loop3A_219] {strides = array<i32>} : memref<32768xf32, #tpu.memory_space<vmem>>, vector<16xf32>,
        %parallel_loop3A_221 = arith.subf %parallel_loop3A_220, %parallel_loop3A_214 : vector<16xf32>
        %parallel_loop3A_222 = arith.cmpf ogt, %parallel_loop3A_221, %get3A_8 : vector<16xf32>
        %parallel_loop3A_223 = arith.cmpf ogt, %parallel_loop3A_221, %get3A_10 : vector<16xf32>
        %parallel_loop3A_224 = arith.constant 4 : i32
        %parallel_loop3A_225 = arith.constant 2 : i32
        %parallel_loop3A_226 = vector.broadcast %parallel_loop3A_224 : i32 to vector<16xi32>
        %parallel_loop3A_227 = vector.broadcast %parallel_loop3A_225 : i32 to vector<16xi32>
        %parallel_loop3A_228 = arith.select %parallel_loop3A_223, %parallel_loop3A_226, %parallel_loop3A_227 : vector<16xi1>, vector<16xi32>
        %parallel_loop3A_229 = arith.constant 1 : i32
        %parallel_loop3A_230 = vector.broadcast %parallel_loop3A_229 : i32 to vector<16xi32>
        %parallel_loop3A_231 = arith.select %parallel_loop3A_222, %parallel_loop3A_228, %parallel_loop3A_230 : vector<16xi1>, vector<16xi32>
        %parallel_loop3A_232 = arith.constant 80 : i32
        %parallel_loop3A_233 = arith.addi %parallel_loop3A_85, %parallel_loop3A_232 : i32
        %parallel_loop3A_234 = arith.index_cast %parallel_loop3A_233 : i32 to index
        %parallel_loop3A_235 = tpu.vector_load %arg8[%parallel_loop3A_234] {strides = array<i32>} : memref<16384xi32, #tpu.memory_space<vmem>>, vector<16xi32>,
        tpu.vector_store %arg8[%parallel_loop3A_234], %parallel_loop3A_231 {strides = array<i32>} : memref<16384xi32, #tpu.memory_space<vmem>>, vector<16xi32>,
        %parallel_loop3A_236 = arith.constant 96 : i32
        %parallel_loop3A_237 = arith.addi %parallel_loop3A_83, %parallel_loop3A_236 : i32
        %parallel_loop3A_238 = arith.index_cast %parallel_loop3A_237 : i32 to index
        %parallel_loop3A_239 = tpu.vector_load %arg6[%parallel_loop3A_238] {strides = array<i32>} : memref<32768xf32, #tpu.memory_space<vmem>>, vector<16xf32>,
        %parallel_loop3A_240 = arith.constant 128 : i32
        %parallel_loop3A_241 = arith.addi %parallel_loop3A_83, %parallel_loop3A_240 : i32
        %parallel_loop3A_242 = arith.constant 96 : i32
        %parallel_loop3A_243 = arith.addi %parallel_loop3A_241, %parallel_loop3A_242 : i32
        %parallel_loop3A_244 = arith.index_cast %parallel_loop3A_243 : i32 to index
        %parallel_loop3A_245 = tpu.vector_load %arg6[%parallel_loop3A_244] {strides = array<i32>} : memref<32768xf32, #tpu.memory_space<vmem>>, vector<16xf32>,
        %parallel_loop3A_246 = arith.subf %parallel_loop3A_245, %parallel_loop3A_239 : vector<16xf32>
        %parallel_loop3A_247 = arith.cmpf ogt, %parallel_loop3A_246, %get3A_8 : vector<16xf32>
        %parallel_loop3A_248 = arith.cmpf ogt, %parallel_loop3A_246, %get3A_10 : vector<16xf32>
        %parallel_loop3A_249 = arith.constant 4 : i32
        %parallel_loop3A_250 = arith.constant 2 : i32
        %parallel_loop3A_251 = vector.broadcast %parallel_loop3A_249 : i32 to vector<16xi32>
        %parallel_loop3A_252 = vector.broadcast %parallel_loop3A_250 : i32 to vector<16xi32>
        %parallel_loop3A_253 = arith.select %parallel_loop3A_248, %parallel_loop3A_251, %parallel_loop3A_252 : vector<16xi1>, vector<16xi32>
        %parallel_loop3A_254 = arith.constant 1 : i32
        %parallel_loop3A_255 = vector.broadcast %parallel_loop3A_254 : i32 to vector<16xi32>
        %parallel_loop3A_256 = arith.select %parallel_loop3A_247, %parallel_loop3A_253, %parallel_loop3A_255 : vector<16xi1>, vector<16xi32>
        %parallel_loop3A_257 = arith.constant 96 : i32
        %parallel_loop3A_258 = arith.addi %parallel_loop3A_85, %parallel_loop3A_257 : i32
        %parallel_loop3A_259 = arith.index_cast %parallel_loop3A_258 : i32 to index
        %parallel_loop3A_260 = tpu.vector_load %arg8[%parallel_loop3A_259] {strides = array<i32>} : memref<16384xi32, #tpu.memory_space<vmem>>, vector<16xi32>,
        tpu.vector_store %arg8[%parallel_loop3A_259], %parallel_loop3A_256 {strides = array<i32>} : memref<16384xi32, #tpu.memory_space<vmem>>, vector<16xi32>,
        %parallel_loop3A_261 = arith.constant 112 : i32
        %parallel_loop3A_262 = arith.addi %parallel_loop3A_83, %parallel_loop3A_261 : i32
        %parallel_loop3A_263 = arith.index_cast %parallel_loop3A_262 : i32 to index
        %parallel_loop3A_264 = tpu.vector_load %arg6[%parallel_loop3A_263] {strides = array<i32>} : memref<32768xf32, #tpu.memory_space<vmem>>, vector<16xf32>,
        %parallel_loop3A_265 = arith.constant 128 : i32
        %parallel_loop3A_266 = arith.addi %parallel_loop3A_83, %parallel_loop3A_265 : i32
        %parallel_loop3A_267 = arith.constant 112 : i32
        %parallel_loop3A_268 = arith.addi %parallel_loop3A_266, %parallel_loop3A_267 : i32
        %parallel_loop3A_269 = arith.index_cast %parallel_loop3A_268 : i32 to index
        %parallel_loop3A_270 = tpu.vector_load %arg6[%parallel_loop3A_269] {strides = array<i32>} : memref<32768xf32, #tpu.memory_space<vmem>>, vector<16xf32>,
        %parallel_loop3A_271 = arith.subf %parallel_loop3A_270, %parallel_loop3A_264 : vector<16xf32>
        %parallel_loop3A_272 = arith.cmpf ogt, %parallel_loop3A_271, %get3A_8 : vector<16xf32>
        %parallel_loop3A_273 = arith.cmpf ogt, %parallel_loop3A_271, %get3A_10 : vector<16xf32>
        %parallel_loop3A_274 = arith.constant 4 : i32
        %parallel_loop3A_275 = arith.constant 2 : i32
        %parallel_loop3A_276 = vector.broadcast %parallel_loop3A_274 : i32 to vector<16xi32>
        %parallel_loop3A_277 = vector.broadcast %parallel_loop3A_275 : i32 to vector<16xi32>
        %parallel_loop3A_278 = arith.select %parallel_loop3A_273, %parallel_loop3A_276, %parallel_loop3A_277 : vector<16xi1>, vector<16xi32>
        %parallel_loop3A_279 = arith.constant 1 : i32
        %parallel_loop3A_280 = vector.broadcast %parallel_loop3A_279 : i32 to vector<16xi32>
        %parallel_loop3A_281 = arith.select %parallel_loop3A_272, %parallel_loop3A_278, %parallel_loop3A_280 : vector<16xi1>, vector<16xi32>
        %parallel_loop3A_282 = arith.constant 112 : i32
        %parallel_loop3A_283 = arith.addi %parallel_loop3A_85, %parallel_loop3A_282 : i32
        %parallel_loop3A_284 = arith.index_cast %parallel_loop3A_283 : i32 to index
        %parallel_loop3A_285 = tpu.vector_load %arg8[%parallel_loop3A_284] {strides = array<i32>} : memref<16384xi32, #tpu.memory_space<vmem>>, vector<16xi32>,
        tpu.vector_store %arg8[%parallel_loop3A_284], %parallel_loop3A_281 {strides = array<i32>} : memref<16384xi32, #tpu.memory_space<vmem>>, vector<16xi32>,
      } {sc.loop_unroll_factor = 8 : i64, sc.parallel_access}
      %mul3A_45 = arith.constant 16384 : i32
      %mul3A_46 = arith.muli %add3A_27, %mul3A_45 : i32
      %add3A_47 = arith.addi %mul3A_2, %mul3A_46 : i32
      %dma_start3A_48 = tpu.memref_slice %arg5[%add3A_47] : memref<8388608xi32, #tpu.memory_space<hbm>> -> memref<16384xi32, #tpu.memory_space<hbm>>
      %dma_start3A_49 = tpu.memref_slice %arg5[%add3A_47] : memref<8388608xi32, #tpu.memory_space<hbm>> -> memref<16384xi32, #tpu.memory_space<hbm>>
      tpu.enqueue_dma source(%arg8 : memref<16384xi32, #tpu.memory_space<vmem>>) target(%dma_start3A_49 : memref<16384xi32, #tpu.memory_space<hbm>>) target_semaphore(%arg14 : memref<!tpu.dma_semaphore, #tpu.memory_space<semaphore_mem>>)
      %mul3A_50 = arith.constant 2 : i32
      %mul3A_51 = arith.muli %scan3A_23, %mul3A_50 : i32
      %add3A_52 = arith.constant 1 : i32
      %add3A_53 = arith.addi %mul3A_51, %add3A_52 : i32
      %add3A_54 = arith.constant 1 : i32
      %add3A_55 = arith.addi %add3A_53, %add3A_54 : i32
      %lt3A_56 = arith.constant 16 : i32
      %lt3A_57 = arith.cmpi slt, %add3A_55, %lt3A_56 : i32
      %convert_element_type3A_58 = arith.extui %lt3A_57 : i1 to i32
      %cond3A_59 = arith.constant 0 : i32
      %cond3A_60 = arith.cmpi ne, %convert_element_type3A_58, %cond3A_59 : i32
      scf.if %cond3A_60 {
        %add3A_81 = arith.constant 1 : i32
        %add3A_82 = arith.addi %add3A_53, %add3A_81 : i32
        %mul3A_83 = arith.constant 16384 : i32
        %mul3A_84 = arith.muli %add3A_82, %mul3A_83 : i32
        %add3A_85 = arith.addi %mul3A_2, %mul3A_84 : i32
        %mul3A_86 = arith.constant 2 : i32
        %mul3A_87 = arith.muli %add3A_85, %mul3A_86 : i32
        %dma_start3A_88 = tpu.memref_slice %arg2[%mul3A_87] : memref<16777216xf32, #tpu.memory_space<hbm>> -> memref<32768xf32, #tpu.memory_space<hbm>>
        %dma_start3A_89 = tpu.memref_slice %arg2[%mul3A_87] : memref<16777216xf32, #tpu.memory_space<hbm>> -> memref<32768xf32, #tpu.memory_space<hbm>>
        tpu.enqueue_dma source(%dma_start3A_89 : memref<32768xf32, #tpu.memory_space<hbm>>) target(%arg6 : memref<32768xf32, #tpu.memory_space<vmem>>) target_semaphore(%arg12 : memref<!tpu.dma_semaphore, #tpu.memory_space<semaphore_mem>>)
      } else {
      }
      %mul3A_61 = arith.constant 16384 : i32
      %mul3A_62 = arith.muli %add3A_53, %mul3A_61 : i32
      %add3A_63 = arith.addi %mul3A_2, %mul3A_62 : i32
      %mul3A_64 = arith.constant 2 : i32
      %mul3A_65 = arith.muli %add3A_63, %mul3A_64 : i32
      %dma_wait3A_66 = tpu.memref_slice %arg2[%mul3A_65] : memref<16777216xf32, #tpu.memory_space<hbm>> -> memref<32768xf32, #tpu.memory_space<hbm>>
      %dma_wait3A_67 = tpu.memref_slice %arg2[%mul3A_65] : memref<16777216xf32, #tpu.memory_space<hbm>> -> memref<32768xf32, #tpu.memory_space<hbm>>
      tpu.wait_dma2 semaphore(%arg13 : memref<!tpu.dma_semaphore, #tpu.memory_space<semaphore_mem>>) src(%dma_wait3A_67 : memref<32768xf32, #tpu.memory_space<hbm>>) dst(%arg7 : memref<32768xf32, #tpu.memory_space<vmem>>)
      %gt3A_68 = arith.constant 0 : i32
      %gt3A_69 = arith.cmpi sgt, %scan3A_23, %gt3A_68 : i32
      %convert_element_type3A_70 = arith.extui %gt3A_69 : i1 to i32
      %cond3A_71 = arith.constant 0 : i32
      %cond3A_72 = arith.cmpi ne, %convert_element_type3A_70, %cond3A_71 : i32
      scf.if %cond3A_72 {
        %sub3A = arith.constant 2 : i32
        %sub3A_81 = arith.subi %add3A_53, %sub3A : i32
        %mul3A_82 = arith.constant 16384 : i32
        %mul3A_83 = arith.muli %sub3A_81, %mul3A_82 : i32
        %add3A_84 = arith.addi %mul3A_2, %mul3A_83 : i32
        %dma_wait3A_85 = tpu.memref_slice %arg5[%add3A_84] : memref<8388608xi32, #tpu.memory_space<hbm>> -> memref<16384xi32, #tpu.memory_space<hbm>>
        %dma_wait3A_86 = tpu.memref_slice %arg5[%add3A_84] : memref<8388608xi32, #tpu.memory_space<hbm>> -> memref<16384xi32, #tpu.memory_space<hbm>>
        tpu.wait_dma2 semaphore(%arg15 : memref<!tpu.dma_semaphore, #tpu.memory_space<semaphore_mem>>) src(%arg9 : memref<16384xi32, #tpu.memory_space<vmem>>) dst(%dma_wait3A_86 : memref<16384xi32, #tpu.memory_space<hbm>>)
      } else {
      }
      %parallel_loop3A_73 = arith.constant 0 : i32
      %parallel_loop3A_74 = arith.constant 128 : i32
      %parallel_loop3A_75 = arith.constant 1 : i32
      scf.for %parallel_loop3A_81 = %parallel_loop3A_73 to %parallel_loop3A_74 step %parallel_loop3A_75  : i32 {
        %parallel_loop3A_82 = arith.constant 256 : i32
        %parallel_loop3A_83 = arith.muli %parallel_loop3A_81, %parallel_loop3A_82 : i32
        %parallel_loop3A_84 = arith.constant 128 : i32
        %parallel_loop3A_85 = arith.muli %parallel_loop3A_81, %parallel_loop3A_84 : i32
        %parallel_loop3A_86 = arith.constant 0 : i32
        %parallel_loop3A_87 = arith.addi %parallel_loop3A_83, %parallel_loop3A_86 : i32
        %parallel_loop3A_88 = arith.index_cast %parallel_loop3A_87 : i32 to index
        %parallel_loop3A_89 = tpu.vector_load %arg7[%parallel_loop3A_88] {strides = array<i32>} : memref<32768xf32, #tpu.memory_space<vmem>>, vector<16xf32>,
        %parallel_loop3A_90 = arith.constant 128 : i32
        %parallel_loop3A_91 = arith.addi %parallel_loop3A_83, %parallel_loop3A_90 : i32
        %parallel_loop3A_92 = arith.constant 0 : i32
        %parallel_loop3A_93 = arith.addi %parallel_loop3A_91, %parallel_loop3A_92 : i32
        %parallel_loop3A_94 = arith.index_cast %parallel_loop3A_93 : i32 to index
        %parallel_loop3A_95 = tpu.vector_load %arg7[%parallel_loop3A_94] {strides = array<i32>} : memref<32768xf32, #tpu.memory_space<vmem>>, vector<16xf32>,
        %parallel_loop3A_96 = arith.subf %parallel_loop3A_95, %parallel_loop3A_89 : vector<16xf32>
        %parallel_loop3A_97 = arith.cmpf ogt, %parallel_loop3A_96, %get3A_8 : vector<16xf32>
        %parallel_loop3A_98 = arith.cmpf ogt, %parallel_loop3A_96, %get3A_10 : vector<16xf32>
        %parallel_loop3A_99 = arith.constant 4 : i32
        %parallel_loop3A_100 = arith.constant 2 : i32
        %parallel_loop3A_101 = vector.broadcast %parallel_loop3A_99 : i32 to vector<16xi32>
        %parallel_loop3A_102 = vector.broadcast %parallel_loop3A_100 : i32 to vector<16xi32>
        %parallel_loop3A_103 = arith.select %parallel_loop3A_98, %parallel_loop3A_101, %parallel_loop3A_102 : vector<16xi1>, vector<16xi32>
        %parallel_loop3A_104 = arith.constant 1 : i32
        %parallel_loop3A_105 = vector.broadcast %parallel_loop3A_104 : i32 to vector<16xi32>
        %parallel_loop3A_106 = arith.select %parallel_loop3A_97, %parallel_loop3A_103, %parallel_loop3A_105 : vector<16xi1>, vector<16xi32>
        %parallel_loop3A_107 = arith.constant 0 : i32
        %parallel_loop3A_108 = arith.addi %parallel_loop3A_85, %parallel_loop3A_107 : i32
        %parallel_loop3A_109 = arith.index_cast %parallel_loop3A_108 : i32 to index
        %parallel_loop3A_110 = tpu.vector_load %arg9[%parallel_loop3A_109] {strides = array<i32>} : memref<16384xi32, #tpu.memory_space<vmem>>, vector<16xi32>,
        tpu.vector_store %arg9[%parallel_loop3A_109], %parallel_loop3A_106 {strides = array<i32>} : memref<16384xi32, #tpu.memory_space<vmem>>, vector<16xi32>,
        %parallel_loop3A_111 = arith.constant 16 : i32
        %parallel_loop3A_112 = arith.addi %parallel_loop3A_83, %parallel_loop3A_111 : i32
        %parallel_loop3A_113 = arith.index_cast %parallel_loop3A_112 : i32 to index
        %parallel_loop3A_114 = tpu.vector_load %arg7[%parallel_loop3A_113] {strides = array<i32>} : memref<32768xf32, #tpu.memory_space<vmem>>, vector<16xf32>,
        %parallel_loop3A_115 = arith.constant 128 : i32
        %parallel_loop3A_116 = arith.addi %parallel_loop3A_83, %parallel_loop3A_115 : i32
        %parallel_loop3A_117 = arith.constant 16 : i32
        %parallel_loop3A_118 = arith.addi %parallel_loop3A_116, %parallel_loop3A_117 : i32
        %parallel_loop3A_119 = arith.index_cast %parallel_loop3A_118 : i32 to index
        %parallel_loop3A_120 = tpu.vector_load %arg7[%parallel_loop3A_119] {strides = array<i32>} : memref<32768xf32, #tpu.memory_space<vmem>>, vector<16xf32>,
        %parallel_loop3A_121 = arith.subf %parallel_loop3A_120, %parallel_loop3A_114 : vector<16xf32>
        %parallel_loop3A_122 = arith.cmpf ogt, %parallel_loop3A_121, %get3A_8 : vector<16xf32>
        %parallel_loop3A_123 = arith.cmpf ogt, %parallel_loop3A_121, %get3A_10 : vector<16xf32>
        %parallel_loop3A_124 = arith.constant 4 : i32
        %parallel_loop3A_125 = arith.constant 2 : i32
        %parallel_loop3A_126 = vector.broadcast %parallel_loop3A_124 : i32 to vector<16xi32>
        %parallel_loop3A_127 = vector.broadcast %parallel_loop3A_125 : i32 to vector<16xi32>
        %parallel_loop3A_128 = arith.select %parallel_loop3A_123, %parallel_loop3A_126, %parallel_loop3A_127 : vector<16xi1>, vector<16xi32>
        %parallel_loop3A_129 = arith.constant 1 : i32
        %parallel_loop3A_130 = vector.broadcast %parallel_loop3A_129 : i32 to vector<16xi32>
        %parallel_loop3A_131 = arith.select %parallel_loop3A_122, %parallel_loop3A_128, %parallel_loop3A_130 : vector<16xi1>, vector<16xi32>
        %parallel_loop3A_132 = arith.constant 16 : i32
        %parallel_loop3A_133 = arith.addi %parallel_loop3A_85, %parallel_loop3A_132 : i32
        %parallel_loop3A_134 = arith.index_cast %parallel_loop3A_133 : i32 to index
        %parallel_loop3A_135 = tpu.vector_load %arg9[%parallel_loop3A_134] {strides = array<i32>} : memref<16384xi32, #tpu.memory_space<vmem>>, vector<16xi32>,
        tpu.vector_store %arg9[%parallel_loop3A_134], %parallel_loop3A_131 {strides = array<i32>} : memref<16384xi32, #tpu.memory_space<vmem>>, vector<16xi32>,
        %parallel_loop3A_136 = arith.constant 32 : i32
        %parallel_loop3A_137 = arith.addi %parallel_loop3A_83, %parallel_loop3A_136 : i32
        %parallel_loop3A_138 = arith.index_cast %parallel_loop3A_137 : i32 to index
        %parallel_loop3A_139 = tpu.vector_load %arg7[%parallel_loop3A_138] {strides = array<i32>} : memref<32768xf32, #tpu.memory_space<vmem>>, vector<16xf32>,
        %parallel_loop3A_140 = arith.constant 128 : i32
        %parallel_loop3A_141 = arith.addi %parallel_loop3A_83, %parallel_loop3A_140 : i32
        %parallel_loop3A_142 = arith.constant 32 : i32
        %parallel_loop3A_143 = arith.addi %parallel_loop3A_141, %parallel_loop3A_142 : i32
        %parallel_loop3A_144 = arith.index_cast %parallel_loop3A_143 : i32 to index
        %parallel_loop3A_145 = tpu.vector_load %arg7[%parallel_loop3A_144] {strides = array<i32>} : memref<32768xf32, #tpu.memory_space<vmem>>, vector<16xf32>,
        %parallel_loop3A_146 = arith.subf %parallel_loop3A_145, %parallel_loop3A_139 : vector<16xf32>
        %parallel_loop3A_147 = arith.cmpf ogt, %parallel_loop3A_146, %get3A_8 : vector<16xf32>
        %parallel_loop3A_148 = arith.cmpf ogt, %parallel_loop3A_146, %get3A_10 : vector<16xf32>
        %parallel_loop3A_149 = arith.constant 4 : i32
        %parallel_loop3A_150 = arith.constant 2 : i32
        %parallel_loop3A_151 = vector.broadcast %parallel_loop3A_149 : i32 to vector<16xi32>
        %parallel_loop3A_152 = vector.broadcast %parallel_loop3A_150 : i32 to vector<16xi32>
        %parallel_loop3A_153 = arith.select %parallel_loop3A_148, %parallel_loop3A_151, %parallel_loop3A_152 : vector<16xi1>, vector<16xi32>
        %parallel_loop3A_154 = arith.constant 1 : i32
        %parallel_loop3A_155 = vector.broadcast %parallel_loop3A_154 : i32 to vector<16xi32>
        %parallel_loop3A_156 = arith.select %parallel_loop3A_147, %parallel_loop3A_153, %parallel_loop3A_155 : vector<16xi1>, vector<16xi32>
        %parallel_loop3A_157 = arith.constant 32 : i32
        %parallel_loop3A_158 = arith.addi %parallel_loop3A_85, %parallel_loop3A_157 : i32
        %parallel_loop3A_159 = arith.index_cast %parallel_loop3A_158 : i32 to index
        %parallel_loop3A_160 = tpu.vector_load %arg9[%parallel_loop3A_159] {strides = array<i32>} : memref<16384xi32, #tpu.memory_space<vmem>>, vector<16xi32>,
        tpu.vector_store %arg9[%parallel_loop3A_159], %parallel_loop3A_156 {strides = array<i32>} : memref<16384xi32, #tpu.memory_space<vmem>>, vector<16xi32>,
        %parallel_loop3A_161 = arith.constant 48 : i32
        %parallel_loop3A_162 = arith.addi %parallel_loop3A_83, %parallel_loop3A_161 : i32
        %parallel_loop3A_163 = arith.index_cast %parallel_loop3A_162 : i32 to index
        %parallel_loop3A_164 = tpu.vector_load %arg7[%parallel_loop3A_163] {strides = array<i32>} : memref<32768xf32, #tpu.memory_space<vmem>>, vector<16xf32>,
        %parallel_loop3A_165 = arith.constant 128 : i32
        %parallel_loop3A_166 = arith.addi %parallel_loop3A_83, %parallel_loop3A_165 : i32
        %parallel_loop3A_167 = arith.constant 48 : i32
        %parallel_loop3A_168 = arith.addi %parallel_loop3A_166, %parallel_loop3A_167 : i32
        %parallel_loop3A_169 = arith.index_cast %parallel_loop3A_168 : i32 to index
        %parallel_loop3A_170 = tpu.vector_load %arg7[%parallel_loop3A_169] {strides = array<i32>} : memref<32768xf32, #tpu.memory_space<vmem>>, vector<16xf32>,
        %parallel_loop3A_171 = arith.subf %parallel_loop3A_170, %parallel_loop3A_164 : vector<16xf32>
        %parallel_loop3A_172 = arith.cmpf ogt, %parallel_loop3A_171, %get3A_8 : vector<16xf32>
        %parallel_loop3A_173 = arith.cmpf ogt, %parallel_loop3A_171, %get3A_10 : vector<16xf32>
        %parallel_loop3A_174 = arith.constant 4 : i32
        %parallel_loop3A_175 = arith.constant 2 : i32
        %parallel_loop3A_176 = vector.broadcast %parallel_loop3A_174 : i32 to vector<16xi32>
        %parallel_loop3A_177 = vector.broadcast %parallel_loop3A_175 : i32 to vector<16xi32>
        %parallel_loop3A_178 = arith.select %parallel_loop3A_173, %parallel_loop3A_176, %parallel_loop3A_177 : vector<16xi1>, vector<16xi32>
        %parallel_loop3A_179 = arith.constant 1 : i32
        %parallel_loop3A_180 = vector.broadcast %parallel_loop3A_179 : i32 to vector<16xi32>
        %parallel_loop3A_181 = arith.select %parallel_loop3A_172, %parallel_loop3A_178, %parallel_loop3A_180 : vector<16xi1>, vector<16xi32>
        %parallel_loop3A_182 = arith.constant 48 : i32
        %parallel_loop3A_183 = arith.addi %parallel_loop3A_85, %parallel_loop3A_182 : i32
        %parallel_loop3A_184 = arith.index_cast %parallel_loop3A_183 : i32 to index
        %parallel_loop3A_185 = tpu.vector_load %arg9[%parallel_loop3A_184] {strides = array<i32>} : memref<16384xi32, #tpu.memory_space<vmem>>, vector<16xi32>,
        tpu.vector_store %arg9[%parallel_loop3A_184], %parallel_loop3A_181 {strides = array<i32>} : memref<16384xi32, #tpu.memory_space<vmem>>, vector<16xi32>,
        %parallel_loop3A_186 = arith.constant 64 : i32
        %parallel_loop3A_187 = arith.addi %parallel_loop3A_83, %parallel_loop3A_186 : i32
        %parallel_loop3A_188 = arith.index_cast %parallel_loop3A_187 : i32 to index
        %parallel_loop3A_189 = tpu.vector_load %arg7[%parallel_loop3A_188] {strides = array<i32>} : memref<32768xf32, #tpu.memory_space<vmem>>, vector<16xf32>,
        %parallel_loop3A_190 = arith.constant 128 : i32
        %parallel_loop3A_191 = arith.addi %parallel_loop3A_83, %parallel_loop3A_190 : i32
        %parallel_loop3A_192 = arith.constant 64 : i32
        %parallel_loop3A_193 = arith.addi %parallel_loop3A_191, %parallel_loop3A_192 : i32
        %parallel_loop3A_194 = arith.index_cast %parallel_loop3A_193 : i32 to index
        %parallel_loop3A_195 = tpu.vector_load %arg7[%parallel_loop3A_194] {strides = array<i32>} : memref<32768xf32, #tpu.memory_space<vmem>>, vector<16xf32>,
        %parallel_loop3A_196 = arith.subf %parallel_loop3A_195, %parallel_loop3A_189 : vector<16xf32>
        %parallel_loop3A_197 = arith.cmpf ogt, %parallel_loop3A_196, %get3A_8 : vector<16xf32>
        %parallel_loop3A_198 = arith.cmpf ogt, %parallel_loop3A_196, %get3A_10 : vector<16xf32>
        %parallel_loop3A_199 = arith.constant 4 : i32
        %parallel_loop3A_200 = arith.constant 2 : i32
        %parallel_loop3A_201 = vector.broadcast %parallel_loop3A_199 : i32 to vector<16xi32>
        %parallel_loop3A_202 = vector.broadcast %parallel_loop3A_200 : i32 to vector<16xi32>
        %parallel_loop3A_203 = arith.select %parallel_loop3A_198, %parallel_loop3A_201, %parallel_loop3A_202 : vector<16xi1>, vector<16xi32>
        %parallel_loop3A_204 = arith.constant 1 : i32
        %parallel_loop3A_205 = vector.broadcast %parallel_loop3A_204 : i32 to vector<16xi32>
        %parallel_loop3A_206 = arith.select %parallel_loop3A_197, %parallel_loop3A_203, %parallel_loop3A_205 : vector<16xi1>, vector<16xi32>
        %parallel_loop3A_207 = arith.constant 64 : i32
        %parallel_loop3A_208 = arith.addi %parallel_loop3A_85, %parallel_loop3A_207 : i32
        %parallel_loop3A_209 = arith.index_cast %parallel_loop3A_208 : i32 to index
        %parallel_loop3A_210 = tpu.vector_load %arg9[%parallel_loop3A_209] {strides = array<i32>} : memref<16384xi32, #tpu.memory_space<vmem>>, vector<16xi32>,
        tpu.vector_store %arg9[%parallel_loop3A_209], %parallel_loop3A_206 {strides = array<i32>} : memref<16384xi32, #tpu.memory_space<vmem>>, vector<16xi32>,
        %parallel_loop3A_211 = arith.constant 80 : i32
        %parallel_loop3A_212 = arith.addi %parallel_loop3A_83, %parallel_loop3A_211 : i32
        %parallel_loop3A_213 = arith.index_cast %parallel_loop3A_212 : i32 to index
        %parallel_loop3A_214 = tpu.vector_load %arg7[%parallel_loop3A_213] {strides = array<i32>} : memref<32768xf32, #tpu.memory_space<vmem>>, vector<16xf32>,
        %parallel_loop3A_215 = arith.constant 128 : i32
        %parallel_loop3A_216 = arith.addi %parallel_loop3A_83, %parallel_loop3A_215 : i32
        %parallel_loop3A_217 = arith.constant 80 : i32
        %parallel_loop3A_218 = arith.addi %parallel_loop3A_216, %parallel_loop3A_217 : i32
        %parallel_loop3A_219 = arith.index_cast %parallel_loop3A_218 : i32 to index
        %parallel_loop3A_220 = tpu.vector_load %arg7[%parallel_loop3A_219] {strides = array<i32>} : memref<32768xf32, #tpu.memory_space<vmem>>, vector<16xf32>,
        %parallel_loop3A_221 = arith.subf %parallel_loop3A_220, %parallel_loop3A_214 : vector<16xf32>
        %parallel_loop3A_222 = arith.cmpf ogt, %parallel_loop3A_221, %get3A_8 : vector<16xf32>
        %parallel_loop3A_223 = arith.cmpf ogt, %parallel_loop3A_221, %get3A_10 : vector<16xf32>
        %parallel_loop3A_224 = arith.constant 4 : i32
        %parallel_loop3A_225 = arith.constant 2 : i32
        %parallel_loop3A_226 = vector.broadcast %parallel_loop3A_224 : i32 to vector<16xi32>
        %parallel_loop3A_227 = vector.broadcast %parallel_loop3A_225 : i32 to vector<16xi32>
        %parallel_loop3A_228 = arith.select %parallel_loop3A_223, %parallel_loop3A_226, %parallel_loop3A_227 : vector<16xi1>, vector<16xi32>
        %parallel_loop3A_229 = arith.constant 1 : i32
        %parallel_loop3A_230 = vector.broadcast %parallel_loop3A_229 : i32 to vector<16xi32>
        %parallel_loop3A_231 = arith.select %parallel_loop3A_222, %parallel_loop3A_228, %parallel_loop3A_230 : vector<16xi1>, vector<16xi32>
        %parallel_loop3A_232 = arith.constant 80 : i32
        %parallel_loop3A_233 = arith.addi %parallel_loop3A_85, %parallel_loop3A_232 : i32
        %parallel_loop3A_234 = arith.index_cast %parallel_loop3A_233 : i32 to index
        %parallel_loop3A_235 = tpu.vector_load %arg9[%parallel_loop3A_234] {strides = array<i32>} : memref<16384xi32, #tpu.memory_space<vmem>>, vector<16xi32>,
        tpu.vector_store %arg9[%parallel_loop3A_234], %parallel_loop3A_231 {strides = array<i32>} : memref<16384xi32, #tpu.memory_space<vmem>>, vector<16xi32>,
        %parallel_loop3A_236 = arith.constant 96 : i32
        %parallel_loop3A_237 = arith.addi %parallel_loop3A_83, %parallel_loop3A_236 : i32
        %parallel_loop3A_238 = arith.index_cast %parallel_loop3A_237 : i32 to index
        %parallel_loop3A_239 = tpu.vector_load %arg7[%parallel_loop3A_238] {strides = array<i32>} : memref<32768xf32, #tpu.memory_space<vmem>>, vector<16xf32>,
        %parallel_loop3A_240 = arith.constant 128 : i32
        %parallel_loop3A_241 = arith.addi %parallel_loop3A_83, %parallel_loop3A_240 : i32
        %parallel_loop3A_242 = arith.constant 96 : i32
        %parallel_loop3A_243 = arith.addi %parallel_loop3A_241, %parallel_loop3A_242 : i32
        %parallel_loop3A_244 = arith.index_cast %parallel_loop3A_243 : i32 to index
        %parallel_loop3A_245 = tpu.vector_load %arg7[%parallel_loop3A_244] {strides = array<i32>} : memref<32768xf32, #tpu.memory_space<vmem>>, vector<16xf32>,
        %parallel_loop3A_246 = arith.subf %parallel_loop3A_245, %parallel_loop3A_239 : vector<16xf32>
        %parallel_loop3A_247 = arith.cmpf ogt, %parallel_loop3A_246, %get3A_8 : vector<16xf32>
        %parallel_loop3A_248 = arith.cmpf ogt, %parallel_loop3A_246, %get3A_10 : vector<16xf32>
        %parallel_loop3A_249 = arith.constant 4 : i32
        %parallel_loop3A_250 = arith.constant 2 : i32
        %parallel_loop3A_251 = vector.broadcast %parallel_loop3A_249 : i32 to vector<16xi32>
        %parallel_loop3A_252 = vector.broadcast %parallel_loop3A_250 : i32 to vector<16xi32>
        %parallel_loop3A_253 = arith.select %parallel_loop3A_248, %parallel_loop3A_251, %parallel_loop3A_252 : vector<16xi1>, vector<16xi32>
        %parallel_loop3A_254 = arith.constant 1 : i32
        %parallel_loop3A_255 = vector.broadcast %parallel_loop3A_254 : i32 to vector<16xi32>
        %parallel_loop3A_256 = arith.select %parallel_loop3A_247, %parallel_loop3A_253, %parallel_loop3A_255 : vector<16xi1>, vector<16xi32>
        %parallel_loop3A_257 = arith.constant 96 : i32
        %parallel_loop3A_258 = arith.addi %parallel_loop3A_85, %parallel_loop3A_257 : i32
        %parallel_loop3A_259 = arith.index_cast %parallel_loop3A_258 : i32 to index
        %parallel_loop3A_260 = tpu.vector_load %arg9[%parallel_loop3A_259] {strides = array<i32>} : memref<16384xi32, #tpu.memory_space<vmem>>, vector<16xi32>,
        tpu.vector_store %arg9[%parallel_loop3A_259], %parallel_loop3A_256 {strides = array<i32>} : memref<16384xi32, #tpu.memory_space<vmem>>, vector<16xi32>,
        %parallel_loop3A_261 = arith.constant 112 : i32
        %parallel_loop3A_262 = arith.addi %parallel_loop3A_83, %parallel_loop3A_261 : i32
        %parallel_loop3A_263 = arith.index_cast %parallel_loop3A_262 : i32 to index
        %parallel_loop3A_264 = tpu.vector_load %arg7[%parallel_loop3A_263] {strides = array<i32>} : memref<32768xf32, #tpu.memory_space<vmem>>, vector<16xf32>,
        %parallel_loop3A_265 = arith.constant 128 : i32
        %parallel_loop3A_266 = arith.addi %parallel_loop3A_83, %parallel_loop3A_265 : i32
        %parallel_loop3A_267 = arith.constant 112 : i32
        %parallel_loop3A_268 = arith.addi %parallel_loop3A_266, %parallel_loop3A_267 : i32
        %parallel_loop3A_269 = arith.index_cast %parallel_loop3A_268 : i32 to index
        %parallel_loop3A_270 = tpu.vector_load %arg7[%parallel_loop3A_269] {strides = array<i32>} : memref<32768xf32, #tpu.memory_space<vmem>>, vector<16xf32>,
        %parallel_loop3A_271 = arith.subf %parallel_loop3A_270, %parallel_loop3A_264 : vector<16xf32>
        %parallel_loop3A_272 = arith.cmpf ogt, %parallel_loop3A_271, %get3A_8 : vector<16xf32>
        %parallel_loop3A_273 = arith.cmpf ogt, %parallel_loop3A_271, %get3A_10 : vector<16xf32>
        %parallel_loop3A_274 = arith.constant 4 : i32
        %parallel_loop3A_275 = arith.constant 2 : i32
        %parallel_loop3A_276 = vector.broadcast %parallel_loop3A_274 : i32 to vector<16xi32>
        %parallel_loop3A_277 = vector.broadcast %parallel_loop3A_275 : i32 to vector<16xi32>
        %parallel_loop3A_278 = arith.select %parallel_loop3A_273, %parallel_loop3A_276, %parallel_loop3A_277 : vector<16xi1>, vector<16xi32>
        %parallel_loop3A_279 = arith.constant 1 : i32
        %parallel_loop3A_280 = vector.broadcast %parallel_loop3A_279 : i32 to vector<16xi32>
        %parallel_loop3A_281 = arith.select %parallel_loop3A_272, %parallel_loop3A_278, %parallel_loop3A_280 : vector<16xi1>, vector<16xi32>
        %parallel_loop3A_282 = arith.constant 112 : i32
        %parallel_loop3A_283 = arith.addi %parallel_loop3A_85, %parallel_loop3A_282 : i32
        %parallel_loop3A_284 = arith.index_cast %parallel_loop3A_283 : i32 to index
        %parallel_loop3A_285 = tpu.vector_load %arg9[%parallel_loop3A_284] {strides = array<i32>} : memref<16384xi32, #tpu.memory_space<vmem>>, vector<16xi32>,
        tpu.vector_store %arg9[%parallel_loop3A_284], %parallel_loop3A_281 {strides = array<i32>} : memref<16384xi32, #tpu.memory_space<vmem>>, vector<16xi32>,
      } {sc.loop_unroll_factor = 8 : i64, sc.parallel_access}
      %mul3A_76 = arith.constant 16384 : i32
      %mul3A_77 = arith.muli %add3A_53, %mul3A_76 : i32
      %add3A_78 = arith.addi %mul3A_2, %mul3A_77 : i32
      %dma_start3A_79 = tpu.memref_slice %arg5[%add3A_78] : memref<8388608xi32, #tpu.memory_space<hbm>> -> memref<16384xi32, #tpu.memory_space<hbm>>
      %dma_start3A_80 = tpu.memref_slice %arg5[%add3A_78] : memref<8388608xi32, #tpu.memory_space<hbm>> -> memref<16384xi32, #tpu.memory_space<hbm>>
      tpu.enqueue_dma source(%arg9 : memref<16384xi32, #tpu.memory_space<vmem>>) target(%dma_start3A_80 : memref<16384xi32, #tpu.memory_space<hbm>>) target_semaphore(%arg15 : memref<!tpu.dma_semaphore, #tpu.memory_space<semaphore_mem>>)
    }
    %scan3A_15 = arith.constant 8 : i32
    %add3A_16 = arith.constant 229376 : i32
    %add3A_17 = arith.addi %mul3A_2, %add3A_16 : i32
    %dma_wait3A = tpu.memref_slice %arg5[%add3A_17] : memref<8388608xi32, #tpu.memory_space<hbm>> -> memref<16384xi32, #tpu.memory_space<hbm>>
    %dma_wait3A_18 = tpu.memref_slice %arg5[%add3A_17] : memref<8388608xi32, #tpu.memory_space<hbm>> -> memref<16384xi32, #tpu.memory_space<hbm>>
    tpu.wait_dma2 semaphore(%arg14 : memref<!tpu.dma_semaphore, #tpu.memory_space<semaphore_mem>>) src(%arg8 : memref<16384xi32, #tpu.memory_space<vmem>>) dst(%dma_wait3A_18 : memref<16384xi32, #tpu.memory_space<hbm>>)
    %add3A_19 = arith.constant 245760 : i32
    %add3A_20 = arith.addi %mul3A_2, %add3A_19 : i32
    %dma_wait3A_21 = tpu.memref_slice %arg5[%add3A_20] : memref<8388608xi32, #tpu.memory_space<hbm>> -> memref<16384xi32, #tpu.memory_space<hbm>>
    %dma_wait3A_22 = tpu.memref_slice %arg5[%add3A_20] : memref<8388608xi32, #tpu.memory_space<hbm>> -> memref<16384xi32, #tpu.memory_space<hbm>>
    tpu.wait_dma2 semaphore(%arg15 : memref<!tpu.dma_semaphore, #tpu.memory_space<semaphore_mem>>) src(%arg9 : memref<16384xi32, #tpu.memory_space<vmem>>) dst(%dma_wait3A_22 : memref<16384xi32, #tpu.memory_space<hbm>>)
    return
  }
}

</mosaic_0001>

<sc_bundles>
// kernel: kernel.3.cloned.1.call-start
scs
__scs_entry_jumppad:
0x0: {  	(pc) =	sbr.rel $0x88, $3  }
0x1: {  	(tag) =	ssettag $0x0;
	lr =	simm.s32 $0x1  }
0x2: {  	[smem:$0x3F9F] =	sst lr;
	_ =	strace $0xD0000000  }
0x3: {  	_ = 	snop  }
0x4: {  	_ = 	snop  }
0x5: {  	_ = 	snop  }
0x6: {  	_ = 	snop  }
0x7: {  	_ = 	snop  }
__scs_overlays_trampoline_lowered:
0x8: {  	[smem:$0x3FAE] =	sst s0  }
0x9: {  	[smem:$0x3FAF] =	sst s1  }
0xa: {  	[smem:$0x3FB0] =	sst s2  }
0xb: {  	[smem:$0x3FB1] =	sst s3  }
0xc: {  	[smem:$0x3FB2] =	sst s4  }
0xd: {  	[smem:$0x3FB3] =	sst s5  }
0xe: {  	[smem:$0x3FB4] =	sst s6  }
0xf: {  	[smem:$0x3FB5] =	sst s7  }
0x10: {  	[smem:$0x3FB6] =	sst s8  }
0x11: {  	[smem:$0x3FB7] =	sst s9;
	s0 =	simm.s32 @!p0 $0x0  }
0x12: {  	s1 =	sld [smem:$0x3F9D];
	s0 =	simm.s32 @p0 $0x1  }
0x13: {  	[smem:$0x3FB8] =	sst s0;
	s0 =	simm.s32 @!p1 $0x0  }
0x14: {  	s2 =	sld [smem:$0x3F9C];
	s0 =	simm.s32 @p1 $0x1  }
0x15: {  	[smem:$0x3FB9] =	sst s0;
	s0 =	simm.s32 @!p2 $0x0  }
0x16: {  	s3 =	sld [smem:$0x3FDB];
	s0 =	simm.s32 @p2 $0x1  }
0x17: {  	s4 =	simm.s32 $0x1BF5;
	[smem:$0x3FBB] =	sst s0  }
0x18: {  	s0 =	sld [smem:$0x3F9E];
	_ =	swait.ge [sflag:s4], $0x0  }
0x19: {  	s7 =	sld [smem:$0x3F9F]  }
0x1a: {  	s8 =	sadd.s32 $0xFFFFE003, lr  }
0x1b: {  	s9 =	sadd.s32 $0xFFFFFEF7, lr;
	s5 =	simm.s32 $0xFFFFFFFF;
	p2 =	slt.u32 s8, $0xFFFFF086  }
0x1c: {  	p1 =	slt.u32 s9, $0xF7A;
	s5 =	simm.s32 @!p2 $0x0  }
0x1d: {  	s5 =	simm.s32 @p1 $0x1;
	p0 =	seq.s32 s7, s2  }
0x1e: {  	s7 =	smul.u32 @!p0 $0xF7A, s2;
	p2 =	seq.s32 @!p0 s5, $0x0  }
0x1f: {  	s9 =	smul.u32 $0xF7A, s1;
	s8 =	simm.s32 @!p0 $0x1BF5;
	p2 =	por !p2, p0  }
0x20: {  	[sflag:s8] =	ssyncset.s32 @!p0 $0xFFFFF086;
	s6 =	sadd.s32 @!p0 s3, s7;
	s7 =	simm.s32 @!p0 $0x108  }
0x21: {  	s3 =	sadd.s32 s3, s9;
	s6 =	sadd.s32 @!p0 $0x88, s6;
	s7 =	simm.s32 @p2 $0x1082  }
0x22: {  	[simem:s7], [sflag:s8] =	dma.local @!p0 [hbm:s6], $0xF7A  }
0x23: {  	s9 =	sor.u32 $0xD0000000, s2;
	s6 =	simm.s32 $0x108;
	_ =	swait.ge @!p0 [sflag:s8], $0x0  }
0x24: {  	s3 =	sadd.s32 $0x88, s3;
	s6 =	simm.s32 @!p1 $0x1082;
	[sflag:s4] =	ssyncset.s32 $0xFFFFF086  }
0x25: {  	[simem:s6], [sflag:s4] =	dma.local [hbm:s3], $0xF7A  }
0x26: {  	[smem:$0x3F9F] =	sst s1;
	(tag) =	ssettag s2;
	_ =	strace s9  }
0x27: {  	s1 =	sld [smem:$0x3FAF]  }
0x28: {  	s2 =	sld [smem:$0x3FB0]  }
0x29: {  	s4 =	sld [smem:$0x3FB2]  }
0x2a: {  	p0 =	seq.s32 s5, $0x0;
	s5 =	sld [smem:$0x3FB3]  }
0x2b: {  	s6 =	sld [smem:$0x3FB4]  }
0x2c: {  	s7 =	sld [smem:$0x3FB5]  }
0x2d: {  	s3 =	simm.s32 $0x108;
	s8 =	sld [smem:$0x3FB6]  }
0x2e: {  	s3 =	simm.s32 @!p0 $0x1082;
	s9 =	sld [smem:$0x3FB7]  }
0x2f: {  	lr =	sadd.s32 s0, s3;
	s0 =	sld [smem:$0x3FAE]  }
0x30: {  	s3 =	sld [smem:$0x3FB1]  }
0x31: {  	[smem:$0x3FBA] =	sst s10  }
0x32: {  	s10 =	sld [smem:$0x3FB8];
	_ =	sdelay $0x3  }
0x33: {  	p0 =	seq.s32 s10, $0x1;
	s10 =	sld [smem:$0x3FBA];
	_ =	sdelay $0x3  }
0x34: {  	[smem:$0x3FBA] =	sst s10  }
0x35: {  	s10 =	sld [smem:$0x3FB9];
	_ =	sdelay $0x3  }
0x36: {  	p1 =	seq.s32 s10, $0x1;
	s10 =	sld [smem:$0x3FBA];
	_ =	sdelay $0x3  }
0x37: {  	[smem:$0x3FBA] =	sst s10  }
0x38: {  	s10 =	sld [smem:$0x3FBB]  }
0x39: {  	_ = 	snop;
	(pc) =	sbr.ind lr, $3  }
0x3a: {  	_ = 	snop  }
0x3b: {  	_ = 	snop  }
0x3c: {  	p2 =	seq.s32 s10, $0x1;
	s10 =	sld [smem:$0x3FBA]  }
0x3d: {  	_ =	shalt  }
0x3e: {  	_ =	shalt  }
0x3f: {  	_ =	shalt  }
0x40: {  	_ =	shalt  }
0x41: {  	_ =	shalt  }
0x42: {  	_ =	shalt  }
0x43: {  	_ =	shalt  }
0x44: {  	_ =	shalt  }
0x45: {  	_ =	shalt  }
0x46: {  	_ =	shalt  }
0x47: {  	_ =	shalt  }
0x48: {  	_ =	shalt  }
0x49: {  	_ =	shalt  }
0x4a: {  	_ =	shalt  }
0x4b: {  	_ =	shalt  }
0x4c: {  	_ =	shalt  }
0x4d: {  	_ =	shalt  }
0x4e: {  	_ =	shalt  }
0x4f: {  	_ =	shalt  }
0x50: {  	_ =	shalt  }
0x51: {  	_ =	shalt  }
0x52: {  	_ =	shalt  }
0x53: {  	_ =	shalt  }
0x54: {  	_ =	shalt  }
0x55: {  	_ =	shalt  }
0x56: {  	_ =	shalt  }
0x57: {  	_ =	shalt  }
0x58: {  	_ =	shalt  }
0x59: {  	_ =	shalt  }
0x5a: {  	_ =	shalt  }
0x5b: {  	_ =	shalt  }
0x5c: {  	_ =	shalt  }
0x5d: {  	_ =	shalt  }
0x5e: {  	_ =	shalt  }
0x5f: {  	_ =	shalt  }
0x60: {  	_ =	shalt  }
0x61: {  	_ =	shalt  }
0x62: {  	_ =	shalt  }
0x63: {  	_ =	shalt  }
0x64: {  	_ =	shalt  }
0x65: {  	_ =	shalt  }
0x66: {  	_ =	shalt  }
0x67: {  	_ =	shalt  }
0x68: {  	_ =	shalt  }
0x69: {  	_ =	shalt  }
0x6a: {  	_ =	shalt  }
0x6b: {  	_ =	shalt  }
0x6c: {  	_ =	shalt  }
0x6d: {  	_ =	shalt  }
0x6e: {  	_ =	shalt  }
0x6f: {  	_ =	shalt  }
0x70: {  	_ =	shalt  }
0x71: {  	_ =	shalt  }
0x72: {  	_ =	shalt  }
0x73: {  	_ =	shalt  }
0x74: {  	_ =	shalt  }
0x75: {  	_ =	shalt  }
0x76: {  	_ =	shalt  }
0x77: {  	_ =	shalt  }
0x78: {  	_ =	shalt  }
0x79: {  	_ =	shalt  }
0x7a: {  	_ =	shalt  }
0x7b: {  	_ =	shalt  }
0x7c: {  	_ =	shalt  }
0x7d: {  	_ =	shalt  }
0x7e: {  	_ =	shalt  }
0x7f: {  	_ =	shalt  }
0x80: {  	_ =	shalt  }
0x81: {  	_ =	shalt  }
0x82: {  	_ =	shalt  }
0x83: {  	_ =	shalt  }
0x84: {  	_ =	shalt  }
0x85: {  	_ =	shalt  }
0x86: {  	_ =	shalt  }
0x87: {  	_ =	shalt  }
.Lfunc_end0:
.L_simem_size_0:
called_computation_lowered:
.L_overlay_start_0:
0x88: {  	s2 =	sld [smem:$0x3FD9]  }
0x89: {  	s3 =	sld [smem:$0x3FFE];
	_ =	sdelay $0x1  }
0x8a: {  	s1 =	srdreg.scid  }
0x8b: {  	s0 =	sand.u32 $0x1, s1  }
0x8c: {  	s17 =	sshll.u32 s0, $0xA;
	s2 =	sadd.s32 s3, s2  }
0x8d: {  	s2 =	sadd.s32 s2, s17  }
0x8e: {  	[smem:$0x3FC6] =	sst s2  }
0x8f: {  	_ = 	snop  }
0x90: {  	s2 =	sld [smem:$0x3FC9]  }
0x91: {  	s18 =	sld [smem:$0x3FD0];
	(tm) =	ssettm $0x1  }
0x92: {  	s4 =	sld [smem:$0x3FFB];
	_ =	sdelay $0x3  }
0x93: {  	_ =	strace s4  }
0x94: {  	s4 =	sld [smem:$0x3FFC];
	_ =	sdelay $0x3  }
0x95: {  	_ =	strace s4  }
0x96: {  	s4 =	sld [smem:$0x3FFD];
	_ =	sdelay $0x3  }
0x97: {  	_ =	strace s4  }
0x98: {  	_ =	strace $0x8FFFFFFF  }
0x99: {  	s19 =	sld [smem:$0x3FDB];
	_ =	sdelay $0x1  }
0x9a: {  	s5 =	simm.s32 $_scs_section_size  }
0x9b: {  	s6 =	simm.s32 $_size__tile_overlayer_lowered;
	s7 =	simm.s32 $_tile_overlayer_lowered  }
0x9c: {  	s22 =	simm.s32 $0x1BFF;
	s21 =	sshll.u32 s7, $0x1;
	s4 =	sadd.s32 s5, s19  }
0x9d: {  	s8 =	simm.s32 $0x0;
	s20 =	sshll.u32 s6, $0x1;
	s6 =	sadd.s32 s21, s4  }
0x9e: {  	[timem:s8], [sflag:s22] =	dma.local [hbm:s6], s20  }
0x9f: {  	_ =	swait.ge [sflag:s22], s20  }
0xa0: {  	s5 =	ssub.s32 $0x0, s20;
	[sflag:s22] =	ssyncset.done $0x0  }
0xa1: {  	[sflag:s22] =	ssyncadd.s32 s5;
	_ =	sdelay $0x1  }
0xa2: {  	s23 =	simm.s32 $0x1B8B  }
0xa3: {  	_ =	swait.ge [sflag:s23], $0x1  }
0xa4: {  	[sflag:s23] =	ssyncset.done $0x0  }
0xa5: {  	s25 =	simm.s32 $0x1B8E;
	s24 =	sld [smem:$0x3FFE];
	[sflag:s23] =	ssyncadd.s32 $0xFFFFFFFF  }
0xa6: {  	s26 =	simm.s32 $execute0_lowered;
	[smem:$0x3FD2] =	sst s25  }
0xa7: {  	s6 =	sshll.u32 s26, $0x1;
	_ =	strace $0x80000046;
	[dreg:$0x1] =	wrdreg $0xFFFFFFFF  }
0xa8: {  	s28 =	simm.s32 $_size_execute0_lowered;
	s4 =	sadd.s32 s4, s6;
	[dreg:$0x0] =	wrdreg $0x0  }
0xa9: {  	s6 =	sshll.u32 s28, $0x1;
	[dreg:$0x2] =	wrdreg s4  }
0xaa: {  	[dreg:$0x3] =	wrdreg s6  }
0xab: {  	[dreg:$0x4] =	wrdreg $0xC0  }
0xac: {  	_ =	task [dreg:s8], $0x5FFFF  }
0xad: {  	[dreg:$0x1] =	wrdreg $0xFFFFFFFF  }
0xae: {  	[dreg:$0x0] =	wrdreg $0x60  }
0xaf: {  	[dreg:$0x2] =	wrdreg s2  }
0xb0: {  	[dreg:$0x3] =	wrdreg s18  }
0xb1: {  	[dreg:$0x4] =	wrdreg s24  }
0xb2: {  	[dreg:$0x5] =	wrdreg $0x9  }
0xb3: {  	_ =	task.clear_ibuf [dreg:s8], $0x6FFFF;
	_ =	strace $0x90000046  }
0xb4: {  	s29 =	simm.s32 $0x9;
	_ =	strace $0x80000048  }
0xb5: {  	_ =	swait.ge [sflag:s29], $0x1  }
0xb6: {  	[sflag:s29] =	ssyncadd.s32 $0xFFFFFFFF  }
0xb7: {  	_ =	strace $0x90000048  }
0xb8: {  	_ =	sfence  }
0xb9: {  	s30 =	sld [smem:$0x0];
	_ =	sdelay $0x2  }
0xba: {  	s31 =	sshll.u32 s1, $0xD;
	s1 =	sshrl.u32 s1, $0x2  }
0xbb: {  	s3 =	sand.u32 $0x4000, s31;
	s1 =	sadd.s32 s1, s30  }
0xbc: {  	s0 =	sor.u32 s3, s0;
	s1 =	sshll.u32 s1, $0x11  }
0xbd: {  	s0 =	sor.u32 s1, s0  }
0xbe: {  	s0 =	sadd.s32 $0x8F2B, s0  }
0xbf: {  	[sflag:s0] =	ssyncadd.remote.s32 $0x1  }
0xc0: {  	_ =	sfence.sel $0xFFFF  }
0xc1: {  	[dreg:$0x0] =	wrdreg $0xFFFFFFFF;
	(pc) =	sbr.abs _section_cstart, $3  }
0xc2: {  	[dreg:$0x1] =	wrdreg $0xFFFFFFFF  }
0xc3: {  	_ =	task.clear_ibuf [dreg:s8], $0x2FFFF;
	_ =	strace $0x9FFFFFFF  }
0xc4: {  	(tm) =	ssettm $0x7FFFFFFF  }
0xc5: {  	_ =	shalt  }
tec
execute0_lowered:
.L_overlay_start_1:
0x0: {  	(tag) =	ssettag $0x1  }
0x1: {  	s6 =	rddreg [dreg:$0x0]  }
0x2: {  	s1 =	rddreg [dreg:$0x1]  }
0x3: {  	s5 =	rddreg [dreg:$0x2]  }
0x4: {  	s0 =	rddreg [dreg:$0x3];
	s3 =	simm.s32 $0x0;
	s4 =	srdreg.scid  }
0x5: {  	s2 =	stileid.u32;
	s11 =	simm.s32 $0x5;
	s12 =	simm.s32 $0x18080  }
0x6: {  	s13 =	simm.s32 $0x8000;
	s14 =	simm.s32 $0x1;
	s15 =	simm.s32 $0x10000  }
0x7: {  	s16 =	simm.s32 $0x2;
	s17 =	simm.s32 $0x14000;
	s18 =	simm.s32 $0x3  }
0x8: {  	s19 =	simm.s32 $0x4;
	s20 =	simm.s32 $0x0;
	[smem:$0x7FF] =	sst s3  }
0x9: {  	s7 =	sand.u32 $0x1, s4;
	s30 =	sshll.u32 s2, $0x1;
	s4 =	sadd.s32 $0x800, s5  }
0xa: {  	s5 =	sadd.s32 $0xA00, s5;
	s8 =	sor.u32 s7, s30;
	s7 =	ssub.s32 $0x2, s7  }
0xb: {  	_ =	strace $0x80000047;
	s9 =	sshll.u32 s8, $0x10;
	s10 =	sshrl.u32 s7, $0x1  }
0xc: {  	s6 =	sadd.s32 s6, s9;
	s31 =	ssub.s32 s7, s10;
	s7 =	sshll.u32 s8, $0x12  }
0xd: {  	v0 =	vimm.s32 $0x2;
	s10 =	simm.s32 $0x18000;
	s8 =	sadd.s32 $0x2000, s6;
	s9 =	smax.u32 s31, $0x1  }
.LBB2_1:
0xe: {  	[tilespmem:s3], [sflag:$0x1] =	stream.linear.gather [hbm4b:s6+s3], $0x8000, $0x38;
	[tilespmem:$0x18100] =	vst v63  }
0xf: {  	_ = 	snop  }
0x10: {  	[tilespmem:s10], [sflag:$0x5] =	stream.linear.gather [hbm4b:s1+s3], $0x80, $0x38;
	[tilespmem:$0x18100] =	vst v63  }
0x11: {  	_ =	swait.ge [sflag:s11], $0x80  }
0x12: {  	[sflag:s11] =	ssyncset.done $0x0  }
0x13: {  	[sflag:s11] =	ssyncadd.s32 $0xFFFFFF80  }
0x14: {  	[tilespmem:s12], [sflag:$0x5] =	stream.linear.gather [hbm4b:s4+s3], $0x80, $0x38;
	[tilespmem:$0x18100] =	vst v63  }
0x15: {  	_ =	swait.ge [sflag:s11], $0x80  }
0x16: {  	[sflag:s11] =	ssyncset.done $0x0  }
0x17: {  	[sflag:s11] =	ssyncadd.s32 $0xFFFFFF80  }
0x18: {  	v1 =	vld [tilespmem:$0x18000]  }
0x19: {  	v2 =	vld [tilespmem:$0x18080];
	_ =	sdelay $0x3  }
0x1a: {  	s21 =	simm.s32 $0x0  }
.LBB2_2:
0x1b: {  	s22 =	sshllo.u32 s21, $0x1  }
0x1c: {  	s23 =	sshll.u32 s22, $0xC  }
0x1d: {  	s23 =	sadd.s32 s23, s6  }
0x1e: {  	[tilespmem:s13], [sflag:$0x2] =	stream.linear.gather [hbm4b:s23+s3], $0x8000, $0x38;
	[tilespmem:$0x18100] =	vst v63  }
0x1f: {  	_ =	swait.ge [sflag:s14], $0x8000  }
0x20: {  	p0 =	seq.s32 s21, $0x0;
	[sflag:s14] =	ssyncset.done $0x0  }
0x21: {  	s23 =	simm.s32 @!p0 $0x3;
	[sflag:s14] =	ssyncadd.s32 $0xFFFF8000  }
0x22: {  	_ =	swait.ge @!p0 [sflag:s23], $0x4000  }
0x23: {  	[sflag:s23] =	ssyncset.done @!p0 $0x0  }
0x24: {  	s26 =	simm.s32 $0x400;
	[sflag:s23] =	ssyncadd.s32 @!p0 $0xFFFFC000  }
0x25: {  	v3 =	vld [tilespmem:s26+$0x300]  }
0x26: {  	v4 =	vld [tilespmem:s26+$0x380]  }
0x27: {  	v5 =	vld [tilespmem:s26+$0xFFFFFC80]  }
0x28: {  	v6 =	vld [tilespmem:s26+$0xFFFFFD00]  }
0x29: {  	v7 =	vld [tilespmem:s26+$0xFFFFFD80]  }
0x2a: {  	v8 =	vld [tilespmem:s26+$0xFFFFFE00]  }
0x2b: {  	v9 =	vld [tilespmem:s26+$0xFFFFFE80];
	v3 =	vsub.f32 v4, v3  }
0x2c: {  	v10 =	vld [tilespmem:s26+$0xFFFFFF80]  }
0x2d: {  	v11 =	vld [tilespmem:s26+$0x0];
	vm0 =	vgt.f32 v3, v2  }
0x2e: {  	v12 =	vld [tilespmem:s26+$0x80];
	vm1 =	vgt.f32 v3, v1;
	v3 =	vsel vm0, $0x4, v0  }
0x2f: {  	s23 =	simm.s32 $0x10200;
	v13 =	vld [tilespmem:s26+$0x100];
	v3 =	vnsel vm1, $0x1, v3  }
0x30: {  	v4 =	vld [tilespmem:s26+$0xFFFFFF00];
	[tilespmem:s23+$0x180] =	vst v3  }
0x31: {  	v3 =	vsub.f32 v7, v6;
	v6 =	vld [tilespmem:s26+$0x310]  }
0x32: {  	v7 =	vld [tilespmem:s26+$0x390]  }
0x33: {  	v14 =	vld [tilespmem:s26+$0x200];
	v8 =	vsub.f32 v9, v8;
	vm0 =	vgt.f32 v3, v2  }
0x34: {  	v9 =	vld [tilespmem:s26+$0x180];
	vm1 =	vgt.f32 v3, v1;
	v3 =	vsel vm0, $0x4, v0  }
0x35: {  	v4 =	vsub.f32 v10, v4;
	v10 =	vld [tilespmem:s26+$0x280];
	vm0 =	vgt.f32 v8, v2;
	v3 =	vnsel vm1, $0x1, v3  }
0x36: {  	vm1 =	vgt.f32 v8, v1;
	v8 =	vsel vm0, $0x4, v0;
	[tilespmem:s23+$0xFFFFFE80] =	vst v3;
	v3 =	vld [tilespmem:s26+$0xFFFFFC00]  }
0x37: {  	vm0 =	vgt.f32 v4, v2;
	v8 =	vnsel vm1, $0x1, v8;
	v6 =	vsub.f32 v7, v6;
	v7 =	vld [tilespmem:s26+$0xFFFFFD10]  }
0x38: {  	vm1 =	vgt.f32 v4, v1;
	v4 =	vsel vm0, $0x4, v0;
	[tilespmem:s23+$0xFFFFFF00] =	vst v8;
	v8 =	vld [tilespmem:s26+$0xFFFFFD90]  }
0x39: {  	v11 =	vsub.f32 v12, v11;
	v4 =	vnsel vm1, $0x1, v4;
	v33 =	vld [tilespmem:s26+$0xFFFFFE10];
	vm0 =	vgt.f32 v6, v2  }
0x3a: {  	[tilespmem:s23+$0xFFFFFF80] =	vst v4;
	v4 =	vld [tilespmem:s26+$0xFFFFFE90];
	vm1 =	vgt.f32 v6, v1;
	v6 =	vsel vm0, $0x4, v0  }
0x3b: {  	vm0 =	vgt.f32 v11, v2;
	v3 =	vsub.f32 v5, v3;
	v5 =	vnsel vm1, $0x1, v6;
	v6 =	vld [tilespmem:s26+$0xFFFFFF10]  }
0x3c: {  	vm1 =	vgt.f32 v11, v1;
	v11 =	vsel vm0, $0x4, v0;
	[tilespmem:s23+$0x190] =	vst v5;
	v5 =	vld [tilespmem:s26+$0xFFFFFF90]  }
0x3d: {  	v9 =	vsub.f32 v9, v13;
	v11 =	vnsel vm1, $0x1, v11;
	vm0 =	vgt.f32 v3, v2;
	v34 =	vld [tilespmem:s26+$0x320]  }
0x3e: {  	[tilespmem:s23+$0x0] =	vst v11;
	vm1 =	vgt.f32 v3, v1;
	v11 =	vld [tilespmem:s26+$0x3A0];
	v3 =	vsel vm0, $0x4, v0  }
0x3f: {  	v10 =	vsub.f32 v10, v14;
	vm0 =	vgt.f32 v9, v2;
	v35 =	vld [tilespmem:s26+$0x10];
	v3 =	vnsel vm1, $0x1, v3  }
0x40: {  	vm1 =	vgt.f32 v9, v1;
	v9 =	vsel vm0, $0x4, v0;
	[tilespmem:s23+$0xFFFFFE00] =	vst v3;
	v3 =	vld [tilespmem:s26+$0x90]  }
0x41: {  	v7 =	vsub.f32 v8, v7;
	vm0 =	vgt.f32 v10, v2;
	v9 =	vnsel vm1, $0x1, v9;
	v8 =	vld [tilespmem:s26+$0xFFFFFC10]  }
0x42: {  	vm1 =	vgt.f32 v10, v1;
	v10 =	vsel vm0, $0x4, v0;
	[tilespmem:s23+$0x80] =	vst v9;
	v9 =	vld [tilespmem:s26+$0xFFFFFC90]  }
0x43: {  	vm0 =	vgt.f32 v7, v2;
	v10 =	vnsel vm1, $0x1, v10;
	v11 =	vsub.f32 v11, v34;
	v36 =	vld [tilespmem:s26+$0x110]  }
0x44: {  	vm1 =	vgt.f32 v7, v1;
	v7 =	vsel vm0, $0x4, v0;
	[tilespmem:s23+$0x100] =	vst v10;
	v10 =	vld [tilespmem:s26+$0x190]  }
0x45: {  	v4 =	vsub.f32 v4, v33;
	v7 =	vnsel vm1, $0x1, v7;
	v37 =	vld [tilespmem:s26+$0x210];
	vm0 =	vgt.f32 v11, v2  }
0x46: {  	[tilespmem:s23+$0xFFFFFE90] =	vst v7;
	v7 =	vld [tilespmem:s26+$0x290];
	vm1 =	vgt.f32 v11, v1;
	v11 =	vsel vm0, $0x4, v0  }
0x47: {  	v5 =	vsub.f32 v5, v6;
	vm0 =	vgt.f32 v4, v2;
	v6 =	vnsel vm1, $0x1, v11;
	v11 =	vld [tilespmem:s26+$0xFFFFFD20]  }
0x48: {  	vm1 =	vgt.f32 v4, v1;
	v4 =	vsel vm0, $0x4, v0;
	v8 =	vsub.f32 v9, v8;
	v9 =	vld [tilespmem:s26+$0xFFFFFDA0];
	[tilespmem:s23+$0x1A0] =	vst v6  }
0x49: {  	vm2 =	vgt.f32 v5, v1;
	vm0 =	vgt.f32 v5, v2;
	v4 =	vnsel vm1, $0x1, v4;
	v5 =	vld [tilespmem:s26+$0x330]  }
0x4a: {  	v3 =	vsub.f32 v3, v35;
	v6 =	vsel vm0, $0x4, v0;
	[tilespmem:s23+$0xFFFFFF10] =	vst v4;
	vm0 =	vgt.f32 v8, v2;
	v4 =	vld [tilespmem:s26+$0x3B0]  }
0x4b: {  	v6 =	vnsel vm2, $0x1, v6;
	vm1 =	vgt.f32 v8, v1;
	v8 =	vsel vm0, $0x4, v0;
	v38 =	vld [tilespmem:s26+$0xFFFFFE20]  }
0x4c: {  	[tilespmem:s23+$0xFFFFFF90] =	vst v6;
	v6 =	vnsel vm1, $0x1, v8;
	v8 =	vld [tilespmem:s26+$0xFFFFFEA0]  }
0x4d: {  	v10 =	vsub.f32 v10, v36;
	vm0 =	vgt.f32 v3, v2;
	[tilespmem:s23+$0xFFFFFE10] =	vst v6;
	v6 =	vld [tilespmem:s26+$0xFFFFFF20]  }
0x4e: {  	vm1 =	vgt.f32 v3, v1;
	v3 =	vsel vm0, $0x4, v0;
	v39 =	vld [tilespmem:s26+$0xFFFFFC20]  }
0x4f: {  	vm0 =	vgt.f32 v10, v2;
	v3 =	vnsel vm1, $0x1, v3;
	v4 =	vsub.f32 v4, v5;
	v5 =	vld [tilespmem:s26+$0xFFFFFCA0]  }
0x50: {  	vm1 =	vgt.f32 v10, v1;
	v10 =	vld [tilespmem:s26+$0xFFFFFFA0];
	[tilespmem:s23+$0x10] =	vst v3;
	v3 =	vsel vm0, $0x4, v0  }
0x51: {  	v7 =	vsub.f32 v7, v37;
	v3 =	vnsel vm1, $0x1, v3;
	v40 =	vld [tilespmem:s26+$0x20];
	vm0 =	vgt.f32 v4, v2  }
0x52: {  	[tilespmem:s23+$0x90] =	vst v3;
	v3 =	vld [tilespmem:s26+$0xA0];
	vm1 =	vgt.f32 v4, v1;
	v4 =	vsel vm0, $0x4, v0  }
0x53: {  	v9 =	vsub.f32 v9, v11;
	v11 =	vld [tilespmem:s26+$0x120];
	vm0 =	vgt.f32 v7, v2;
	v4 =	vnsel vm1, $0x1, v4  }
0x54: {  	v41 =	vld [tilespmem:s26+$0x1A0];
	vm1 =	vgt.f32 v7, v1;
	v7 =	vsel vm0, $0x4, v0;
	v5 =	vsub.f32 v5, v39;
	[tilespmem:s23+$0x1B0] =	vst v4  }
0x55: {  	v8 =	vsub.f32 v8, v38;
	v4 =	vnsel vm1, $0x1, v7;
	vm1 =	vgt.f32 v9, v2;
	v7 =	vld [tilespmem:s26+$0x340]  }
0x56: {  	vm0 =	vgt.f32 v9, v1;
	[tilespmem:s23+$0x110] =	vst v4;
	v4 =	vsel vm1, $0x4, v0;
	v9 =	vld [tilespmem:s26+$0x3C0];
	vm1 =	vgt.f32 v5, v2  }
0x57: {  	v4 =	vnsel vm0, $0x1, v4;
	vm0 =	vgt.f32 v5, v1;
	v42 =	vld [tilespmem:s26+$0x220];
	v5 =	vsel vm1, $0x4, v0  }
0x58: {  	[tilespmem:s23+$0xFFFFFEA0] =	vst v4;
	v4 =	vnsel vm0, $0x1, v5;
	v5 =	vld [tilespmem:s26+$0x2A0]  }
0x59: {  	v6 =	vsub.f32 v10, v6;
	vm0 =	vgt.f32 v8, v2;
	[tilespmem:s23+$0xFFFFFE20] =	vst v4;
	v4 =	vld [tilespmem:s26+$0xFFFFFD30]  }
0x5a: {  	vm1 =	vgt.f32 v8, v1;
	v8 =	vsel vm0, $0x4, v0;
	v10 =	vld [tilespmem:s26+$0xFFFFFC30]  }
0x5b: {  	vm0 =	vgt.f32 v6, v2;
	v8 =	vnsel vm1, $0x1, v8;
	v7 =	vsub.f32 v9, v7;
	v9 =	vld [tilespmem:s26+$0xFFFFFCB0]  }
0x5c: {  	vm1 =	vgt.f32 v6, v1;
	v6 =	vsel vm0, $0x4, v0;
	[tilespmem:s23+$0xFFFFFF20] =	vst v8;
	v8 =	vld [tilespmem:s26+$0xFFFFFDB0]  }
0x5d: {  	v3 =	vsub.f32 v3, v40;
	v6 =	vnsel vm1, $0x1, v6;
	v43 =	vld [tilespmem:s26+$0xFFFFFE30];
	vm0 =	vgt.f32 v7, v2  }
0x5e: {  	[tilespmem:s23+$0xFFFFFFA0] =	vst v6;
	v6 =	vld [tilespmem:s26+$0xFFFFFEB0];
	vm1 =	vgt.f32 v7, v1;
	v7 =	vsel vm0, $0x4, v0  }
0x5f: {  	v11 =	vsub.f32 v41, v11;
	vm0 =	vgt.f32 v3, v2;
	v44 =	vld [tilespmem:s26+$0xFFFFFF30];
	v7 =	vnsel vm1, $0x1, v7  }
0x60: {  	vm1 =	vgt.f32 v3, v1;
	v3 =	vsel vm0, $0x4, v0;
	[tilespmem:s23+$0x1C0] =	vst v7;
	v7 =	vld [tilespmem:s26+$0xFFFFFFB0]  }
0x61: {  	v5 =	vsub.f32 v5, v42;
	vm0 =	vgt.f32 v11, v2;
	v3 =	vnsel vm1, $0x1, v3;
	v45 =	vld [tilespmem:s26+$0x350]  }
0x62: {  	vm1 =	vgt.f32 v11, v1;
	v11 =	vsel vm0, $0x4, v0;
	[tilespmem:s23+$0x20] =	vst v3;
	v3 =	vld [tilespmem:s26+$0x3D0]  }
0x63: {  	vm0 =	vgt.f32 v5, v2;
	v9 =	vsub.f32 v9, v10;
	v11 =	vnsel vm1, $0x1, v11;
	v10 =	vld [tilespmem:s26+$0x30]  }
0x64: {  	vm1 =	vgt.f32 v5, v1;
	v5 =	vsel vm0, $0x4, v0;
	[tilespmem:s23+$0xA0] =	vst v11;
	v11 =	vld [tilespmem:s26+$0xB0]  }
0x65: {  	v4 =	vsub.f32 v8, v4;
	v5 =	vnsel vm1, $0x1, v5;
	vm0 =	vgt.f32 v9, v2;
	v8 =	vld [tilespmem:s26+$0x130]  }
0x66: {  	vm1 =	vgt.f32 v9, v1;
	[tilespmem:s23+$0x120] =	vst v5;
	v5 =	vsel vm0, $0x4, v0;
	v9 =	vld [tilespmem:s26+$0x1B0]  }
0x67: {  	vm0 =	vgt.f32 v4, v2;
	v5 =	vnsel vm1, $0x1, v5;
	v46 =	vld [tilespmem:s26+$0x230];
	v3 =	vsub.f32 v3, v45  }
0x68: {  	vm1 =	vgt.f32 v4, v1;
	v4 =	vsel vm0, $0x4, v0;
	[tilespmem:s23+$0xFFFFFE30] =	vst v5;
	v5 =	vld [tilespmem:s26+$0x2B0]  }
0x69: {  	v6 =	vsub.f32 v6, v43;
	v4 =	vnsel vm1, $0x1, v4;
	v47 =	vld [tilespmem:s26+$0xFFFFFC40];
	vm0 =	vgt.f32 v3, v2  }
0x6a: {  	[tilespmem:s23+$0xFFFFFEB0] =	vst v4;
	v4 =	vld [tilespmem:s26+$0xFFFFFCC0];
	vm1 =	vgt.f32 v3, v1;
	v3 =	vsel vm0, $0x4, v0  }
0x6b: {  	v7 =	vsub.f32 v7, v44;
	v48 =	vld [tilespmem:s26+$0xFFFFFD40];
	vm0 =	vgt.f32 v6, v2;
	v3 =	vnsel vm1, $0x1, v3  }
0x6c: {  	vm1 =	vgt.f32 v6, v1;
	v6 =	vsel vm0, $0x4, v0;
	[tilespmem:s23+$0x1D0] =	vst v3;
	v3 =	vld [tilespmem:s26+$0xFFFFFDC0]  }
0x6d: {  	v10 =	vsub.f32 v11, v10;
	vm0 =	vgt.f32 v7, v2;
	v6 =	vnsel vm1, $0x1, v6;
	v11 =	vld [tilespmem:s26+$0x360]  }
0x6e: {  	v8 =	vsub.f32 v9, v8;
	vm1 =	vgt.f32 v7, v1;
	v7 =	vsel vm0, $0x4, v0;
	[tilespmem:s23+$0xFFFFFF30] =	vst v6;
	v6 =	vld [tilespmem:s26+$0x3E0]  }
0x6f: {  	v5 =	vsub.f32 v5, v46;
	vm0 =	vgt.f32 v10, v2;
	v7 =	vnsel vm1, $0x1, v7;
	v9 =	vld [tilespmem:s26+$0xFFFFFE40]  }
0x70: {  	vm1 =	vgt.f32 v10, v1;
	[tilespmem:s23+$0xFFFFFFB0] =	vst v7;
	v7 =	vsel vm0, $0x4, v0;
	v10 =	vld [tilespmem:s26+$0xFFFFFEC0];
	vm0 =	vgt.f32 v8, v2  }
0x71: {  	v7 =	vnsel vm1, $0x1, v7;
	v49 =	vld [tilespmem:s26+$0xFFFFFF40];
	vm1 =	vgt.f32 v8, v1;
	v8 =	vsel vm0, $0x4, v0  }
0x72: {  	[tilespmem:s23+$0x30] =	vst v7;
	v7 =	vld [tilespmem:s26+$0xFFFFFFC0];
	v8 =	vnsel vm1, $0x1, v8  }
0x73: {  	vm0 =	vgt.f32 v5, v2;
	[tilespmem:s23+$0xB0] =	vst v8;
	v8 =	vld [tilespmem:s26+$0xC0];
	v6 =	vsub.f32 v6, v11  }
0x74: {  	vm1 =	vgt.f32 v5, v1;
	v5 =	vsel vm0, $0x4, v0;
	v11 =	vld [tilespmem:s26+$0x40]  }
0x75: {  	v4 =	vsub.f32 v4, v47;
	v5 =	vnsel vm1, $0x1, v5;
	v50 =	vld [tilespmem:s26+$0x140];
	vm0 =	vgt.f32 v6, v2  }
0x76: {  	[tilespmem:s23+$0x130] =	vst v5;
	v5 =	vld [tilespmem:s26+$0x1C0];
	vm1 =	vgt.f32 v6, v1;
	v6 =	vsel vm0, $0x4, v0  }
0x77: {  	v3 =	vsub.f32 v3, v48;
	v51 =	vld [tilespmem:s26+$0x240];
	vm0 =	vgt.f32 v4, v2;
	v6 =	vnsel vm1, $0x1, v6  }
0x78: {  	vm1 =	vgt.f32 v4, v1;
	v4 =	vsel vm0, $0x4, v0;
	[tilespmem:s23+$0x1E0] =	vst v6;
	v6 =	vld [tilespmem:s26+$0x2C0]  }
0x79: {  	v9 =	vsub.f32 v10, v9;
	vm0 =	vgt.f32 v3, v2;
	v4 =	vnsel vm1, $0x1, v4;
	v10 =	vld [tilespmem:s26+$0x370]  }
0x7a: {  	vm1 =	vgt.f32 v3, v1;
	v3 =	vsel vm0, $0x4, v0;
	[tilespmem:s23+$0xFFFFFE40] =	vst v4;
	v4 =	vld [tilespmem:s26+$0x3F0]  }
0x7b: {  	v7 =	vsub.f32 v7, v49;
	vm0 =	vgt.f32 v9, v2;
	v3 =	vnsel vm1, $0x1, v3;
	v52 =	vld [tilespmem:s26+$0xFFFFFC50]  }
0x7c: {  	vm1 =	vgt.f32 v9, v1;
	[tilespmem:s23+$0xFFFFFEC0] =	vst v3;
	v3 =	vsel vm0, $0x4, v0;
	v9 =	vld [tilespmem:s26+$0xFFFFFCD0]  }
0x7d: {  	v8 =	vsub.f32 v8, v11;
	vm0 =	vgt.f32 v7, v2;
	v3 =	vnsel vm1, $0x1, v3;
	v11 =	vld [tilespmem:s26+$0xFFFFFD50]  }
0x7e: {  	vm1 =	vgt.f32 v7, v1;
	v7 =	vsel vm0, $0x4, v0;
	[tilespmem:s23+$0xFFFFFF40] =	vst v3;
	v3 =	vld [tilespmem:s26+$0xFFFFFDD0]  }
0x7f: {  	v5 =	vsub.f32 v5, v50;
	vm0 =	vgt.f32 v8, v2;
	v7 =	vnsel vm1, $0x1, v7;
	v53 =	vld [tilespmem:s26+$0xFFFFFE50]  }
0x80: {  	vm1 =	vgt.f32 v8, v1;
	v8 =	vsel vm0, $0x4, v0;
	[tilespmem:s23+$0xFFFFFFC0] =	vst v7;
	v7 =	vld [tilespmem:s26+$0xFFFFFED0]  }
0x81: {  	vm0 =	vgt.f32 v5, v2;
	v6 =	vsub.f32 v6, v51;
	v8 =	vnsel vm1, $0x1, v8;
	v54 =	vld [tilespmem:s26+$0xFFFFFF50]  }
0x82: {  	vm1 =	vgt.f32 v5, v1;
	v5 =	vsel vm0, $0x4, v0;
	[tilespmem:s23+$0x40] =	vst v8;
	v8 =	vld [tilespmem:s26+$0xFFFFFFD0]  }
0x83: {  	v5 =	vnsel vm1, $0x1, v5;
	vm0 =	vgt.f32 v6, v2;
	v9 =	vsub.f32 v9, v52;
	v55 =	vld [tilespmem:s26+$0x50]  }
0x84: {  	vm1 =	vgt.f32 v6, v1;
	[tilespmem:s23+$0xC0] =	vst v5;
	v5 =	vld [tilespmem:s26+$0xD0];
	v6 =	vsel vm0, $0x4, v0  }
0x85: {  	v6 =	vnsel vm1, $0x1, v6;
	vm0 =	vgt.f32 v9, v2;
	v3 =	vsub.f32 v3, v11;
	v11 =	vld [tilespmem:s26+$0x150]  }
0x86: {  	vm1 =	vgt.f32 v9, v1;
	v9 =	vld [tilespmem:s26+$0x1D0];
	[tilespmem:s23+$0x140] =	vst v6;
	v6 =	vsel vm0, $0x4, v0  }
0x87: {  	v7 =	vsub.f32 v7, v53;
	vm0 =	vgt.f32 v3, v2;
	v6 =	vnsel vm1, $0x1, v6;
	v56 =	vld [tilespmem:s26+$0x250]  }
0x88: {  	vm1 =	vgt.f32 v3, v1;
	v3 =	vsel vm0, $0x4, v0;
	[tilespmem:s23+$0xFFFFFE50] =	vst v6;
	v6 =	vld [tilespmem:s26+$0x2D0]  }
0x89: {  	v8 =	vsub.f32 v8, v54;
	vm0 =	vgt.f32 v7, v2;
	v3 =	vnsel vm1, $0x1, v3;
	v57 =	vld [tilespmem:s26+$0xFFFFFC60]  }
0x8a: {  	vm1 =	vgt.f32 v7, v1;
	v7 =	vsel vm0, $0x4, v0;
	[tilespmem:s23+$0xFFFFFED0] =	vst v3;
	v3 =	vld [tilespmem:s26+$0xFFFFFCE0]  }
0x8b: {  	v5 =	vsub.f32 v5, v55;
	vm0 =	vgt.f32 v8, v2;
	v7 =	vnsel vm1, $0x1, v7;
	v58 =	vld [tilespmem:s26+$0xFFFFFD60]  }
0x8c: {  	vm1 =	vgt.f32 v8, v1;
	v8 =	vsel vm0, $0x4, v0;
	[tilespmem:s23+$0xFFFFFF50] =	vst v7;
	v7 =	vld [tilespmem:s26+$0xFFFFFDE0]  }
0x8d: {  	v9 =	vsub.f32 v9, v11;
	vm0 =	vgt.f32 v5, v2;
	v8 =	vnsel vm1, $0x1, v8;
	v11 =	vld [tilespmem:s26+$0xFFFFFE60]  }
0x8e: {  	vm1 =	vgt.f32 v5, v1;
	v5 =	vsel vm0, $0x4, v0;
	[tilespmem:s23+$0xFFFFFFD0] =	vst v8;
	v8 =	vld [tilespmem:s26+$0xFFFFFEE0]  }
0x8f: {  	vm0 =	vgt.f32 v9, v2;
	v5 =	vnsel vm1, $0x1, v5;
	v6 =	vsub.f32 v6, v56;
	v59 =	vld [tilespmem:s26+$0xFFFFFF60]  }
0x90: {  	vm1 =	vgt.f32 v9, v1;
	v9 =	vsel vm0, $0x4, v0;
	[tilespmem:s23+$0x50] =	vst v5;
	v5 =	vld [tilespmem:s26+$0xFFFFFFE0]  }
0x91: {  	v9 =	vnsel vm1, $0x1, v9;
	v60 =	vld [tilespmem:s26+$0x60];
	vm0 =	vgt.f32 v6, v2;
	v3 =	vsub.f32 v3, v57  }
0x92: {  	v4 =	vsub.f32 v4, v10;
	vm1 =	vgt.f32 v6, v1;
	[tilespmem:s23+$0xD0] =	vst v9;
	v9 =	vld [tilespmem:s26+$0xE0];
	v6 =	vsel vm0, $0x4, v0  }
0x93: {  	v7 =	vsub.f32 v7, v58;
	v10 =	vld [tilespmem:s26+$0x160];
	v6 =	vnsel vm1, $0x1, v6;
	vm0 =	vgt.f32 v3, v2  }
0x94: {  	vm1 =	vgt.f32 v4, v2;
	vm2 =	vgt.f32 v3, v1;
	[tilespmem:s23+$0x150] =	vst v6;
	v3 =	vsel vm0, $0x4, v0;
	v6 =	vld [tilespmem:s26+$0x1E0]  }
0x95: {  	v8 =	vsub.f32 v8, v11;
	vm0 =	vgt.f32 v7, v2;
	v3 =	vnsel vm2, $0x1, v3;
	v11 =	vld [tilespmem:s26+$0x260]  }
0x96: {  	vm3 =	vgt.f32 v7, v1;
	vm2 =	vgt.f32 v4, v1;
	v4 =	vsel vm0, $0x4, v0;
	[tilespmem:s23+$0xFFFFFE60] =	vst v3;
	v3 =	vld [tilespmem:s26+$0x2E0]  }
0x97: {  	v5 =	vsub.f32 v5, v59;
	vm0 =	vgt.f32 v8, v2;
	v4 =	vnsel vm3, $0x1, v4;
	v7 =	vld [tilespmem:s26+$0xFFFFFC70]  }
0x98: {  	v61 =	vsel vm1, $0x4, v0;
	vm1 =	vgt.f32 v8, v1;
	v8 =	vsel vm0, $0x4, v0;
	[tilespmem:s23+$0xFFFFFEE0] =	vst v4;
	v4 =	vld [tilespmem:s26+$0xFFFFFCF0]  }
0x99: {  	v9 =	vsub.f32 v9, v60;
	vm0 =	vgt.f32 v5, v2;
	v8 =	vnsel vm1, $0x1, v8;
	v62 =	vld [tilespmem:s26+$0xFFFFFD70]  }
0x9a: {  	v12 =	vnsel vm2, $0x1, v61;
	vm1 =	vgt.f32 v5, v1;
	v5 =	vsel vm0, $0x4, v0;
	[tilespmem:s23+$0xFFFFFF60] =	vst v8;
	v8 =	vld [tilespmem:s26+$0xFFFFFDF0]  }
0x9b: {  	vm0 =	vgt.f32 v9, v2;
	v5 =	vnsel vm1, $0x1, v5;
	v6 =	vsub.f32 v6, v10;
	v10 =	vld [tilespmem:s26+$0xFFFFFE70]  }
0x9c: {  	vm1 =	vgt.f32 v9, v1;
	v9 =	vsel vm0, $0x4, v0;
	[tilespmem:s23+$0xFFFFFFE0] =	vst v5;
	v3 =	vsub.f32 v3, v11;
	v11 =	vld [tilespmem:s26+$0xFFFFFEF0]  }
0x9d: {  	v5 =	vnsel vm1, $0x1, v9;
	v9 =	vld [tilespmem:s26+$0xFFFFFF70];
	vm0 =	vgt.f32 v6, v1;
	vm2 =	vgt.f32 v6, v2  }
0x9e: {  	v63 =	vld [tilespmem:s26+$0xFFFFFFF0];
	[tilespmem:s23+$0x60] =	vst v5;
	v6 =	vsel vm2, $0x4, v0;
	v4 =	vsub.f32 v4, v7;
	vm1 =	vgt.f32 v3, v2  }
0x9f: {  	v5 =	vnsel vm0, $0x1, v6;
	vm0 =	vgt.f32 v3, v1;
	v3 =	vld [tilespmem:s26+$0x70];
	v6 =	vsel vm1, $0x4, v0  }
0xa0: {  	v7 =	vsub.f32 v8, v62;
	[tilespmem:s23+$0xE0] =	vst v5;
	v5 =	vld [tilespmem:s26+$0xF0];
	v6 =	vnsel vm0, $0x1, v6;
	vm0 =	vgt.f32 v4, v2  }
0xa1: {  	vm1 =	vgt.f32 v4, v1;
	v4 =	vld [tilespmem:s26+$0x170];
	v8 =	vsel vm0, $0x4, v0;
	v10 =	vsub.f32 v11, v10  }
0xa2: {  	[tilespmem:s23+$0x160] =	vst v6;
	vm0 =	vgt.f32 v7, v2;
	v8 =	vnsel vm1, $0x1, v8;
	vm1 =	vgt.f32 v7, v1;
	v7 =	vld [tilespmem:s26+$0x1F0]  }
0xa3: {  	s24 =	sshll.u32 s21, $0xF;
	[tilespmem:s23+$0x1F0] =	vst v12;
	v9 =	vsub.f32 v63, v9;
	v11 =	vsel vm0, $0x4, v0;
	v6 =	vld [tilespmem:s26+$0x270];
	vm2 =	vgt.f32 v10, v2  }
0xa4: {  	s25 =	simm.s32 $0x0;
	s24 =	sadd.s32 s7, s24;
	vm0 =	vgt.f32 v10, v1;
	[tilespmem:s23+$0xFFFFFE70] =	vst v8;
	v10 =	vnsel vm1, $0x1, v11;
	v8 =	vld [tilespmem:s26+$0x2F0];
	s26 =	simm.s32 $0xC00;
	v11 =	vsel vm2, $0x4, v0  }
.LBB2_3:
0xa5: {  	v12 =	vld [tilespmem:s26+$0x300];
	[tilespmem:s23+$0xFFFFFEF0] =	vst v10;
	vm1 =	vgt.f32 v9, v1;
	vm2 =	vgt.f32 v9, v2;
	v3 =	vsub.f32 v5, v3  }
0xa6: {  	v9 =	vnsel vm0, $0x1, v11;
	v5 =	vld [tilespmem:s26+$0x380];
	v10 =	vsel vm2, $0x4, v0  }
0xa7: {  	v11 =	vld [tilespmem:s26+$0xFFFFFC80];
	[tilespmem:s23+$0xFFFFFF70] =	vst v9;
	vm0 =	vgt.f32 v3, v1;
	vm2 =	vgt.f32 v3, v2;
	v3 =	vsub.f32 v7, v4  }
0xa8: {  	v7 =	vnsel vm1, $0x1, v10;
	v4 =	vld [tilespmem:s26+$0xFFFFFD00];
	v9 =	vsel vm2, $0x4, v0  }
0xa9: {  	v10 =	vld [tilespmem:s26+$0xFFFFFD80];
	[tilespmem:s23+$0xFFFFFFF0] =	vst v7;
	vm1 =	vgt.f32 v3, v1;
	vm2 =	vgt.f32 v3, v2;
	v3 =	vsub.f32 v8, v6  }
0xaa: {  	v7 =	vnsel vm0, $0x1, v9;
	v6 =	vld [tilespmem:s26+$0xFFFFFE00];
	v8 =	vsel vm2, $0x4, v0  }
0xab: {  	v9 =	vld [tilespmem:s26+$0xFFFFFE80];
	v5 =	vsub.f32 v5, v12;
	[tilespmem:s23+$0x70] =	vst v7;
	vm0 =	vgt.f32 v3, v1;
	vm2 =	vgt.f32 v3, v2  }
0xac: {  	v7 =	vnsel vm1, $0x1, v8;
	v3 =	vld [tilespmem:s26+$0xFFFFFF00];
	v8 =	vsel vm2, $0x4, v0  }
0xad: {  	s25 =	sadd.s32 $0x8, s25;
	v12 =	vld [tilespmem:s26+$0xFFFFFF80];
	vm1 =	vgt.f32 v5, v2;
	[tilespmem:s23+$0xF0] =	vst v7;
	v7 =	vnsel vm0, $0x1, v8  }
0xae: {  	p1 =	slt.u32 s25, $0x78;
	vm0 =	vgt.f32 v5, v1;
	v4 =	vsub.f32 v10, v4;
	v8 =	vld [tilespmem:s26+$0x0];
	v5 =	vsel vm1, $0x4, v0;
	[tilespmem:s23+$0x170] =	vst v7  }
0xaf: {  	s23 =	sadd.s32 $0x400, s23;
	v7 =	vld [tilespmem:s26+$0x80];
	v5 =	vnsel vm0, $0x1, v5  }
0xb0: {  	vm0 =	vgt.f32 v4, v1;
	vm1 =	vgt.f32 v4, v2;
	v4 =	vsub.f32 v9, v6;
	v6 =	vld [tilespmem:s26+$0x100];
	[tilespmem:s23+$0x180] =	vst v5  }
0xb1: {  	v5 =	vsel vm1, $0x4, v0;
	v9 =	vld [tilespmem:s26+$0x310]  }
0xb2: {  	vm1 =	vgt.f32 v4, v1;
	vm2 =	vgt.f32 v4, v2;
	v3 =	vsub.f32 v12, v3;
	v4 =	vld [tilespmem:s26+$0x390]  }
0xb3: {  	v5 =	vnsel vm0, $0x1, v5;
	v10 =	vsel vm2, $0x4, v0;
	v12 =	vld [tilespmem:s26+$0x180]  }
0xb4: {  	[tilespmem:s23+$0xFFFFFE80] =	vst v5;
	vm0 =	vgt.f32 v3, v1;
	vm2 =	vgt.f32 v3, v2;
	v3 =	vsub.f32 v7, v8;
	v5 =	vld [tilespmem:s26+$0x200]  }
0xb5: {  	v7 =	vnsel vm1, $0x1, v10;
	v8 =	vsel vm2, $0x4, v0;
	v10 =	vld [tilespmem:s26+$0x280]  }
0xb6: {  	v13 =	vld [tilespmem:s26+$0xFFFFFC00];
	[tilespmem:s23+$0xFFFFFF00] =	vst v7;
	v7 =	vnsel vm0, $0x1, v8;
	vm0 =	vgt.f32 v3, v1;
	vm1 =	vgt.f32 v3, v2  }
0xb7: {  	v3 =	vld [tilespmem:s26+$0xFFFFFD10];
	[tilespmem:s23+$0xFFFFFF80] =	vst v7;
	v7 =	vsel vm1, $0x4, v0;
	v4 =	vsub.f32 v4, v9  }
0xb8: {  	v8 =	vld [tilespmem:s26+$0xFFFFFD90];
	v7 =	vnsel vm0, $0x1, v7;
	v6 =	vsub.f32 v12, v6  }
0xb9: {  	v9 =	vld [tilespmem:s26+$0xFFFFFE10];
	[tilespmem:s23+$0x0] =	vst v7;
	vm0 =	vgt.f32 v4, v2  }
0xba: {  	vm1 =	vgt.f32 v4, v1;
	v7 =	vld [tilespmem:s26+$0xFFFFFE90];
	v5 =	vsub.f32 v10, v5;
	v4 =	vsel vm0, $0x4, v0  }
0xbb: {  	vm0 =	vgt.f32 v6, v2;
	v10 =	vsub.f32 v11, v13;
	v11 =	vld [tilespmem:s26+$0xFFFFFF10];
	v4 =	vnsel vm1, $0x1, v4  }
0xbc: {  	vm1 =	vgt.f32 v6, v1;
	v6 =	vsel vm0, $0x4, v0;
	v12 =	vld [tilespmem:s26+$0xFFFFFF90];
	vm0 =	vgt.f32 v5, v2;
	[tilespmem:s23+$0x190] =	vst v4  }
0xbd: {  	vm2 =	vgt.f32 v10, v1;
	vm3 =	vgt.f32 v10, v2;
	v4 =	vsel vm0, $0x4, v0;
	v10 =	vld [tilespmem:s26+$0x320]  }
0xbe: {  	v6 =	vnsel vm1, $0x1, v6;
	vm0 =	vgt.f32 v5, v1;
	v13 =	vsel vm3, $0x4, v0;
	v5 =	vld [tilespmem:s26+$0x3A0]  }
0xbf: {  	v3 =	vsub.f32 v8, v3;
	v4 =	vnsel vm0, $0x1, v4;
	v13 =	vnsel vm2, $0x1, v13;
	v8 =	vld [tilespmem:s26+$0x10];
	[tilespmem:s23+$0x80] =	vst v6  }
0xc0: {  	v6 =	vsub.f32 v7, v9;
	[tilespmem:s23+$0xFFFFFE00] =	vst v13;
	v7 =	vld [tilespmem:s26+$0x90]  }
0xc1: {  	vm0 =	vgt.f32 v3, v1;
	vm1 =	vgt.f32 v3, v2;
	v9 =	vld [tilespmem:s26+$0xFFFFFC10];
	v3 =	vsub.f32 v12, v11;
	[tilespmem:s23+$0x100] =	vst v4  }
0xc2: {  	v11 =	vsel vm1, $0x4, v0;
	vm1 =	vgt.f32 v6, v1;
	vm2 =	vgt.f32 v6, v2;
	v4 =	vld [tilespmem:s26+$0xFFFFFC90]  }
0xc3: {  	v6 =	vsel vm2, $0x4, v0;
	vm2 =	vgt.f32 v3, v2;
	v12 =	vld [tilespmem:s26+$0x110];
	v5 =	vsub.f32 v5, v10  }
0xc4: {  	v10 =	vnsel vm0, $0x1, v11;
	vm0 =	vgt.f32 v3, v1;
	v3 =	vsel vm2, $0x4, v0;
	v11 =	vld [tilespmem:s26+$0x190]  }
0xc5: {  	v6 =	vnsel vm1, $0x1, v6;
	[tilespmem:s23+$0xFFFFFE90] =	vst v10;
	v7 =	vsub.f32 v7, v8;
	v8 =	vld [tilespmem:s26+$0x210];
	vm1 =	vgt.f32 v5, v2  }
0xc6: {  	v3 =	vnsel vm0, $0x1, v3;
	vm0 =	vgt.f32 v5, v1;
	[tilespmem:s23+$0xFFFFFF10] =	vst v6;
	v6 =	vld [tilespmem:s26+$0x290];
	v5 =	vsel vm1, $0x4, v0  }
0xc7: {  	v4 =	vsub.f32 v4, v9;
	v9 =	vld [tilespmem:s26+$0xFFFFFD20];
	[tilespmem:s23+$0xFFFFFF90] =	vst v3;
	vm1 =	vgt.f32 v7, v2;
	v3 =	vnsel vm0, $0x1, v5  }
0xc8: {  	vm0 =	vgt.f32 v7, v1;
	v5 =	vld [tilespmem:s26+$0xFFFFFDA0];
	v7 =	vsel vm1, $0x4, v0;
	[tilespmem:s23+$0x1A0] =	vst v3  }
0xc9: {  	vm1 =	vgt.f32 v4, v1;
	vm2 =	vgt.f32 v4, v2;
	v3 =	vsub.f32 v11, v12;
	v4 =	vld [tilespmem:s26+$0x330]  }
0xca: {  	v7 =	vnsel vm0, $0x1, v7;
	v10 =	vsel vm2, $0x4, v0;
	v11 =	vld [tilespmem:s26+$0x3B0]  }
0xcb: {  	v12 =	vld [tilespmem:s26+$0xFFFFFE20];
	[tilespmem:s23+$0x10] =	vst v7;
	vm0 =	vgt.f32 v3, v1;
	vm2 =	vgt.f32 v3, v2;
	v3 =	vsub.f32 v6, v8  }
0xcc: {  	v6 =	vnsel vm1, $0x1, v10;
	v7 =	vld [tilespmem:s26+$0xFFFFFEA0];
	v8 =	vsel vm2, $0x4, v0  }
0xcd: {  	[tilespmem:s23+$0xFFFFFE10] =	vst v6;
	v6 =	vld [tilespmem:s26+$0xFFFFFF20];
	v8 =	vnsel vm0, $0x1, v8;
	vm0 =	vgt.f32 v3, v1;
	vm1 =	vgt.f32 v3, v2  }
0xce: {  	v5 =	vsub.f32 v5, v9;
	v3 =	vld [tilespmem:s26+$0xFFFFFC20];
	[tilespmem:s23+$0x90] =	vst v8;
	v8 =	vsel vm1, $0x4, v0  }
0xcf: {  	v9 =	vld [tilespmem:s26+$0xFFFFFCA0];
	v8 =	vnsel vm0, $0x1, v8;
	v4 =	vsub.f32 v11, v4  }
0xd0: {  	vm0 =	vgt.f32 v5, v1;
	vm1 =	vgt.f32 v5, v2;
	v5 =	vld [tilespmem:s26+$0xFFFFFFA0];
	[tilespmem:s23+$0x110] =	vst v8  }
0xd1: {  	v8 =	vsel vm1, $0x4, v0;
	v7 =	vsub.f32 v7, v12;
	v10 =	vld [tilespmem:s26+$0x20];
	vm1 =	vgt.f32 v4, v2  }
0xd2: {  	v8 =	vnsel vm0, $0x1, v8;
	vm0 =	vgt.f32 v4, v1;
	v11 =	vld [tilespmem:s26+$0xA0];
	v4 =	vsel vm1, $0x4, v0  }
0xd3: {  	[tilespmem:s23+$0xFFFFFEA0] =	vst v8;
	vm1 =	vgt.f32 v7, v1;
	vm2 =	vgt.f32 v7, v2;
	v7 =	vld [tilespmem:s26+$0x120];
	v4 =	vnsel vm0, $0x1, v4  }
0xd4: {  	v3 =	vsub.f32 v9, v3;
	v8 =	vsel vm2, $0x4, v0;
	v9 =	vld [tilespmem:s26+$0x1A0];
	[tilespmem:s23+$0x1B0] =	vst v4  }
0xd5: {  	v4 =	vnsel vm1, $0x1, v8;
	v5 =	vsub.f32 v5, v6;
	v6 =	vld [tilespmem:s26+$0x340]  }
0xd6: {  	vm0 =	vgt.f32 v3, v1;
	vm1 =	vgt.f32 v3, v2;
	[tilespmem:s23+$0xFFFFFF20] =	vst v4;
	v3 =	vld [tilespmem:s26+$0x3C0]  }
0xd7: {  	v4 =	vsel vm1, $0x4, v0;
	vm1 =	vgt.f32 v5, v2;
	v8 =	vsub.f32 v11, v10;
	v10 =	vld [tilespmem:s26+$0x220]  }
0xd8: {  	v4 =	vnsel vm0, $0x1, v4;
	vm0 =	vgt.f32 v5, v1;
	v5 =	vsel vm1, $0x4, v0;
	v11 =	vld [tilespmem:s26+$0x2A0]  }
0xd9: {  	[tilespmem:s23+$0xFFFFFE20] =	vst v4;
	v4 =	vld [tilespmem:s26+$0xFFFFFD30];
	vm1 =	vgt.f32 v8, v1;
	vm2 =	vgt.f32 v8, v2;
	v7 =	vsub.f32 v9, v7  }
0xda: {  	v5 =	vnsel vm0, $0x1, v5;
	v8 =	vld [tilespmem:s26+$0xFFFFFC30];
	v9 =	vsel vm2, $0x4, v0  }
0xdb: {  	v12 =	vld [tilespmem:s26+$0xFFFFFCB0];
	[tilespmem:s23+$0xFFFFFFA0] =	vst v5;
	vm0 =	vgt.f32 v7, v1;
	vm2 =	vgt.f32 v7, v2;
	v3 =	vsub.f32 v3, v6  }
0xdc: {  	v6 =	vnsel vm1, $0x1, v9;
	v5 =	vld [tilespmem:s26+$0xFFFFFDB0];
	v7 =	vsel vm2, $0x4, v0  }
0xdd: {  	v9 =	vld [tilespmem:s26+$0xFFFFFE30];
	[tilespmem:s23+$0x20] =	vst v6;
	v6 =	vnsel vm0, $0x1, v7;
	v7 =	vsub.f32 v11, v10;
	vm0 =	vgt.f32 v3, v2  }
0xde: {  	vm1 =	vgt.f32 v3, v1;
	v10 =	vld [tilespmem:s26+$0xFFFFFEB0];
	[tilespmem:s23+$0xA0] =	vst v6;
	v3 =	vsel vm0, $0x4, v0  }
0xdf: {  	v6 =	vld [tilespmem:s26+$0xFFFFFF30];
	vm0 =	vgt.f32 v7, v1;
	vm2 =	vgt.f32 v7, v2;
	v3 =	vnsel vm1, $0x1, v3  }
0xe0: {  	v7 =	vsub.f32 v12, v8;
	v8 =	vld [tilespmem:s26+$0xFFFFFFB0];
	v11 =	vsel vm2, $0x4, v0;
	[tilespmem:s23+$0x1C0] =	vst v3  }
0xe1: {  	v3 =	vsub.f32 v5, v4;
	v4 =	vnsel vm0, $0x1, v11;
	v5 =	vld [tilespmem:s26+$0x350]  }
0xe2: {  	vm0 =	vgt.f32 v7, v1;
	vm1 =	vgt.f32 v7, v2;
	[tilespmem:s23+$0x120] =	vst v4;
	v4 =	vld [tilespmem:s26+$0x3D0]  }
0xe3: {  	v7 =	vsel vm1, $0x4, v0;
	vm1 =	vgt.f32 v3, v2;
	v9 =	vsub.f32 v10, v9;
	v10 =	vld [tilespmem:s26+$0x30]  }
0xe4: {  	v7 =	vnsel vm0, $0x1, v7;
	vm0 =	vgt.f32 v3, v1;
	v3 =	vsel vm1, $0x4, v0;
	v11 =	vld [tilespmem:s26+$0xB0]  }
0xe5: {  	[tilespmem:s23+$0xFFFFFE30] =	vst v7;
	vm1 =	vgt.f32 v9, v1;
	vm2 =	vgt.f32 v9, v2;
	v6 =	vsub.f32 v8, v6;
	v7 =	vld [tilespmem:s26+$0x130]  }
0xe6: {  	v3 =	vnsel vm0, $0x1, v3;
	v8 =	vsel vm2, $0x4, v0;
	v9 =	vld [tilespmem:s26+$0x1B0]  }
0xe7: {  	[tilespmem:s23+$0xFFFFFEB0] =	vst v3;
	vm0 =	vgt.f32 v6, v1;
	vm2 =	vgt.f32 v6, v2;
	v3 =	vld [tilespmem:s26+$0x230];
	v4 =	vsub.f32 v4, v5  }
0xe8: {  	v5 =	vnsel vm1, $0x1, v8;
	v6 =	vsel vm2, $0x4, v0;
	v8 =	vld [tilespmem:s26+$0x2B0]  }
0xe9: {  	v12 =	vld [tilespmem:s26+$0xFFFFFC40];
	[tilespmem:s23+$0xFFFFFF30] =	vst v5;
	v5 =	vnsel vm0, $0x1, v6;
	v6 =	vsub.f32 v11, v10;
	vm0 =	vgt.f32 v4, v2  }
0xea: {  	vm1 =	vgt.f32 v4, v1;
	v10 =	vld [tilespmem:s26+$0xFFFFFCC0];
	[tilespmem:s23+$0xFFFFFFB0] =	vst v5;
	v4 =	vsel vm0, $0x4, v0  }
0xeb: {  	v5 =	vld [tilespmem:s26+$0xFFFFFD40];
	vm0 =	vgt.f32 v6, v2;
	v7 =	vsub.f32 v9, v7;
	v4 =	vnsel vm1, $0x1, v4  }
0xec: {  	vm1 =	vgt.f32 v6, v1;
	v9 =	vld [tilespmem:s26+$0xFFFFFDC0];
	v6 =	vsel vm0, $0x4, v0;
	[tilespmem:s23+$0x1D0] =	vst v4  }
0xed: {  	vm0 =	vgt.f32 v7, v1;
	vm2 =	vgt.f32 v7, v2;
	v3 =	vsub.f32 v8, v3;
	v4 =	vld [tilespmem:s26+$0x360]  }
0xee: {  	v6 =	vnsel vm1, $0x1, v6;
	v7 =	vsel vm2, $0x4, v0;
	v8 =	vld [tilespmem:s26+$0x3E0]  }
0xef: {  	v11 =	vld [tilespmem:s26+$0xFFFFFE40];
	[tilespmem:s23+$0x30] =	vst v6;
	v6 =	vnsel vm0, $0x1, v7;
	vm0 =	vgt.f32 v3, v1;
	vm1 =	vgt.f32 v3, v2  }
0xf0: {  	v3 =	vsub.f32 v10, v12;
	v7 =	vld [tilespmem:s26+$0xFFFFFEC0];
	[tilespmem:s23+$0xB0] =	vst v6;
	v6 =	vsel vm1, $0x4, v0  }
0xf1: {  	v5 =	vsub.f32 v9, v5;
	v9 =	vld [tilespmem:s26+$0xFFFFFF40];
	v6 =	vnsel vm0, $0x1, v6  }
0xf2: {  	vm0 =	vgt.f32 v3, v1;
	vm1 =	vgt.f32 v3, v2;
	v3 =	vld [tilespmem:s26+$0xFFFFFFC0];
	[tilespmem:s23+$0x130] =	vst v6  }
0xf3: {  	v6 =	vsel vm1, $0x4, v0;
	vm1 =	vgt.f32 v5, v2;
	v10 =	vld [tilespmem:s26+$0x40];
	v4 =	vsub.f32 v8, v4  }
0xf4: {  	v6 =	vnsel vm0, $0x1, v6;
	vm0 =	vgt.f32 v5, v1;
	v5 =	vsel vm1, $0x4, v0;
	v8 =	vld [tilespmem:s26+$0xC0]  }
0xf5: {  	[tilespmem:s23+$0xFFFFFE40] =	vst v6;
	v5 =	vnsel vm0, $0x1, v5;
	v6 =	vsub.f32 v7, v11;
	v7 =	vld [tilespmem:s26+$0x140];
	vm0 =	vgt.f32 v4, v2  }
0xf6: {  	vm1 =	vgt.f32 v4, v1;
	[tilespmem:s23+$0xFFFFFEC0] =	vst v5;
	v5 =	vld [tilespmem:s26+$0x1C0];
	v4 =	vsel vm0, $0x4, v0  }
0xf7: {  	vm0 =	vgt.f32 v6, v2;
	v3 =	vsub.f32 v3, v9;
	v9 =	vld [tilespmem:s26+$0x240];
	v4 =	vnsel vm1, $0x1, v4  }
0xf8: {  	vm1 =	vgt.f32 v6, v1;
	v6 =	vsel vm0, $0x4, v0;
	v11 =	vld [tilespmem:s26+$0x2C0];
	[tilespmem:s23+$0x1E0] =	vst v4  }
0xf9: {  	vm0 =	vgt.f32 v3, v1;
	vm2 =	vgt.f32 v3, v2;
	v3 =	vsub.f32 v8, v10;
	v4 =	vld [tilespmem:s26+$0x370]  }
0xfa: {  	v6 =	vnsel vm1, $0x1, v6;
	v8 =	vsel vm2, $0x4, v0;
	v10 =	vld [tilespmem:s26+$0x3F0]  }
0xfb: {  	v12 =	vld [tilespmem:s26+$0xFFFFFC50];
	[tilespmem:s23+$0xFFFFFF40] =	vst v6;
	vm1 =	vgt.f32 v3, v1;
	vm2 =	vgt.f32 v3, v2;
	v3 =	vsub.f32 v5, v7  }
0xfc: {  	v6 =	vnsel vm0, $0x1, v8;
	v5 =	vld [tilespmem:s26+$0xFFFFFCD0];
	v7 =	vsel vm2, $0x4, v0  }
0xfd: {  	v8 =	vld [tilespmem:s26+$0xFFFFFD50];
	[tilespmem:s23+$0xFFFFFFC0] =	vst v6;
	vm0 =	vgt.f32 v3, v1;
	vm2 =	vgt.f32 v3, v2;
	v3 =	vsub.f32 v11, v9  }
0xfe: {  	v7 =	vnsel vm1, $0x1, v7;
	v6 =	vld [tilespmem:s26+$0xFFFFFDD0];
	v9 =	vsel vm2, $0x4, v0  }
0xff: {  	v11 =	vld [tilespmem:s26+$0xFFFFFE50];
	[tilespmem:s23+$0x40] =	vst v7;
	vm1 =	vgt.f32 v3, v1;
	vm2 =	vgt.f32 v3, v2;
	v3 =	vsub.f32 v10, v4  }
0x100: {  	v7 =	vnsel vm0, $0x1, v9;
	v4 =	vld [tilespmem:s26+$0xFFFFFED0];
	v9 =	vsel vm2, $0x4, v0  }
0x101: {  	v5 =	vsub.f32 v5, v12;
	v10 =	vld [tilespmem:s26+$0xFFFFFF50];
	[tilespmem:s23+$0xC0] =	vst v7;
	v7 =	vnsel vm1, $0x1, v9;
	vm0 =	vgt.f32 v3, v2  }
0x102: {  	vm1 =	vgt.f32 v3, v1;
	v9 =	vld [tilespmem:s26+$0xFFFFFFD0];
	[tilespmem:s23+$0x140] =	vst v7;
	v3 =	vsel vm0, $0x4, v0  }
0x103: {  	vm0 =	vgt.f32 v5, v2;
	v6 =	vsub.f32 v6, v8;
	v7 =	vld [tilespmem:s26+$0x50];
	v3 =	vnsel vm1, $0x1, v3  }
0x104: {  	vm1 =	vgt.f32 v5, v1;
	v5 =	vsel vm0, $0x4, v0;
	v8 =	vld [tilespmem:s26+$0xD0];
	[tilespmem:s23+$0x1F0] =	vst v3  }
0x105: {  	vm0 =	vgt.f32 v6, v1;
	vm2 =	vgt.f32 v6, v2;
	v3 =	vsub.f32 v4, v11;
	v4 =	vld [tilespmem:s26+$0x150]  }
0x106: {  	v5 =	vnsel vm1, $0x1, v5;
	v6 =	vsel vm2, $0x4, v0;
	v11 =	vld [tilespmem:s26+$0x1D0]  }
0x107: {  	[tilespmem:s23+$0xFFFFFE50] =	vst v5;
	vm1 =	vgt.f32 v3, v1;
	vm2 =	vgt.f32 v3, v2;
	v3 =	vsub.f32 v9, v10;
	v5 =	vld [tilespmem:s26+$0x250]  }
0x108: {  	v6 =	vnsel vm0, $0x1, v6;
	v9 =	vsel vm2, $0x4, v0;
	v10 =	vld [tilespmem:s26+$0x2D0]  }
0x109: {  	v12 =	vld [tilespmem:s26+$0xFFFFFC60];
	[tilespmem:s23+$0xFFFFFED0] =	vst v6;
	vm0 =	vgt.f32 v3, v1;
	vm2 =	vgt.f32 v3, v2;
	v3 =	vsub.f32 v8, v7  }
0x10a: {  	v7 =	vnsel vm1, $0x1, v9;
	v6 =	vld [tilespmem:s26+$0xFFFFFCE0];
	v8 =	vsel vm2, $0x4, v0  }
0x10b: {  	v9 =	vld [tilespmem:s26+$0xFFFFFD60];
	[tilespmem:s23+$0xFFFFFF50] =	vst v7;
	vm1 =	vgt.f32 v3, v1;
	vm2 =	vgt.f32 v3, v2;
	v3 =	vsub.f32 v11, v4  }
0x10c: {  	v7 =	vnsel vm0, $0x1, v8;
	v4 =	vld [tilespmem:s26+$0xFFFFFDE0];
	v8 =	vsel vm2, $0x4, v0  }
0x10d: {  	v11 =	vld [tilespmem:s26+$0xFFFFFE60];
	[tilespmem:s23+$0xFFFFFFD0] =	vst v7;
	vm0 =	vgt.f32 v3, v1;
	vm2 =	vgt.f32 v3, v2;
	v3 =	vsub.f32 v10, v5  }
0x10e: {  	v7 =	vnsel vm1, $0x1, v8;
	v5 =	vld [tilespmem:s26+$0xFFFFFEE0];
	v8 =	vsel vm2, $0x4, v0  }
0x10f: {  	v10 =	vld [tilespmem:s26+$0xFFFFFF60];
	[tilespmem:s23+$0x50] =	vst v7;
	v7 =	vnsel vm0, $0x1, v8;
	vm0 =	vgt.f32 v3, v1;
	vm1 =	vgt.f32 v3, v2  }
0x110: {  	v3 =	vsub.f32 v6, v12;
	v6 =	vld [tilespmem:s26+$0xFFFFFFE0];
	[tilespmem:s23+$0xD0] =	vst v7;
	v7 =	vsel vm1, $0x4, v0  }
0x111: {  	v4 =	vsub.f32 v4, v9;
	v8 =	vld [tilespmem:s26+$0x60];
	v7 =	vnsel vm0, $0x1, v7  }
0x112: {  	vm0 =	vgt.f32 v3, v1;
	vm1 =	vgt.f32 v3, v2;
	v3 =	vld [tilespmem:s26+$0xE0];
	[tilespmem:s23+$0x150] =	vst v7  }
0x113: {  	v7 =	vsel vm1, $0x4, v0;
	vm1 =	vgt.f32 v4, v2;
	v5 =	vsub.f32 v5, v11;
	v9 =	vld [tilespmem:s26+$0x160]  }
0x114: {  	v7 =	vnsel vm0, $0x1, v7;
	vm0 =	vgt.f32 v4, v1;
	v4 =	vsel vm1, $0x4, v0;
	v11 =	vld [tilespmem:s26+$0x1E0]  }
0x115: {  	[tilespmem:s23+$0xFFFFFE60] =	vst v7;
	vm1 =	vgt.f32 v5, v1;
	vm2 =	vgt.f32 v5, v2;
	v5 =	vsub.f32 v6, v10;
	v6 =	vld [tilespmem:s26+$0x260]  }
0x116: {  	v4 =	vnsel vm0, $0x1, v4;
	v7 =	vsel vm2, $0x4, v0;
	v10 =	vld [tilespmem:s26+$0x2E0]  }
0x117: {  	v12 =	vld [tilespmem:s26+$0xFFFFFC70];
	[tilespmem:s23+$0xFFFFFEE0] =	vst v4;
	vm0 =	vgt.f32 v5, v1;
	vm2 =	vgt.f32 v5, v2;
	v3 =	vsub.f32 v3, v8  }
0x118: {  	v5 =	vnsel vm1, $0x1, v7;
	v4 =	vld [tilespmem:s26+$0xFFFFFCF0];
	v7 =	vsel vm2, $0x4, v0  }
0x119: {  	v8 =	vld [tilespmem:s26+$0xFFFFFD70];
	[tilespmem:s23+$0xFFFFFF60] =	vst v5;
	vm1 =	vgt.f32 v3, v1;
	vm2 =	vgt.f32 v3, v2;
	v3 =	vsub.f32 v11, v9  }
0x11a: {  	v7 =	vnsel vm0, $0x1, v7;
	v5 =	vld [tilespmem:s26+$0xFFFFFDF0];
	v9 =	vsel vm2, $0x4, v0  }
0x11b: {  	v11 =	vld [tilespmem:s26+$0xFFFFFE70];
	[tilespmem:s23+$0xFFFFFFE0] =	vst v7;
	vm0 =	vgt.f32 v3, v1;
	vm2 =	vgt.f32 v3, v2;
	v3 =	vsub.f32 v10, v6  }
0x11c: {  	v7 =	vnsel vm1, $0x1, v9;
	v6 =	vld [tilespmem:s26+$0xFFFFFEF0];
	v9 =	vsel vm2, $0x4, v0  }
0x11d: {  	v10 =	vld [tilespmem:s26+$0xFFFFFF70];
	[tilespmem:s23+$0x60] =	vst v7;
	v7 =	vnsel vm0, $0x1, v9;
	vm0 =	vgt.f32 v3, v1;
	vm1 =	vgt.f32 v3, v2  }
0x11e: {  	v4 =	vsub.f32 v4, v12;
	v9 =	vld [tilespmem:s26+$0xFFFFFFF0];
	[tilespmem:s23+$0xE0] =	vst v7;
	v7 =	vsel vm1, $0x4, v0  }
0x11f: {  	v8 =	vsub.f32 v5, v8;
	v3 =	vld [tilespmem:s26+$0x70];
	v7 =	vnsel vm0, $0x1, v7  }
.Ltmp0:
0x120: {  	vm0 =	vgt.f32 v4, v1;
	vm1 =	vgt.f32 v4, v2;
	v5 =	vld [tilespmem:s26+$0xF0];
	[tilespmem:s23+$0x160] =	vst v7;
	(pc) =	sbr.rel @p1 .LBB2_3-.Ltmp0, $4  }
0x121: {  	v7 =	vsel vm1, $0x4, v0;
	vm1 =	vgt.f32 v8, v2;
	v6 =	vsub.f32 v6, v11;
	v4 =	vld [tilespmem:s26+$0x170]  }
0x122: {  	v11 =	vnsel vm0, $0x1, v7;
	vm2 =	vgt.f32 v8, v1;
	v8 =	vsel vm1, $0x4, v0;
	v7 =	vld [tilespmem:s26+$0x1F0]  }
0x123: {  	[tilespmem:s23+$0xFFFFFE70] =	vst v11;
	vm0 =	vgt.f32 v6, v1;
	vm1 =	vgt.f32 v6, v2;
	v9 =	vsub.f32 v9, v10;
	v6 =	vld [tilespmem:s26+$0x270]  }
0x124: {  	v10 =	vnsel vm2, $0x1, v8;
	v11 =	vsel vm1, $0x4, v0;
	v8 =	vld [tilespmem:s26+$0x2F0];
	s26 =	sadd.s32 $0x800, s26  }
0x125: {  	_ = 	snop  }
0x126: {  	v3 =	vsub.f32 v5, v3  }
0x127: {  	vm1 =	vgt.f32 v9, v1;
	vm2 =	vgt.f32 v9, v2;
	v5 =	vnsel vm0, $0x1, v11  }
0x128: {  	v9 =	vsel vm2, $0x4, v0;
	vm0 =	vgt.f32 v3, v1;
	v4 =	vsub.f32 v7, v4  }
0x129: {  	[tilespmem:s23+$0xFFFFFEF0] =	vst v10;
	vm2 =	vgt.f32 v3, v2;
	v3 =	vnsel vm1, $0x1, v9;
	v6 =	vsub.f32 v8, v6  }
0x12a: {  	[tilespmem:s23+$0xFFFFFF70] =	vst v5;
	v5 =	vsel vm2, $0x4, v0;
	vm1 =	vgt.f32 v4, v1;
	vm2 =	vgt.f32 v4, v2  }
0x12b: {  	[tilespmem:s23+$0xFFFFFFF0] =	vst v3;
	v3 =	vnsel vm0, $0x1, v5;
	v4 =	vsel vm2, $0x4, v0;
	vm0 =	vgt.f32 v6, v2  }
0x12c: {  	[tilespmem:s23+$0x70] =	vst v3;
	vm2 =	vgt.f32 v6, v1;
	v3 =	vnsel vm1, $0x1, v4;
	v4 =	vsel vm0, $0x4, v0  }
0x12d: {  	s24 =	sshrl.u32 s24, $0x3;
	p1 =	seq.s32 s21, $0x7;
	[tilespmem:s23+$0xF0] =	vst v3;
	v3 =	vnsel vm2, $0x1, v4  }
0x12e: {  	s31 =	sadd.s32 s5, s24;
	[tilespmem:s23+$0x170] =	vst v3;
	s23 =	sshll.u32 @!p1 s21, $0xD  }
0x12f: {  	[hbm4b:s31+s3] =	stream.linear.scatter [tilespmem:s15], [sflag:$0x3], $0x4000, $0x38;
	[tilespmem:$0x18100] =	vst v63  }
0x130: {  	s24 =	simm.s32 @!p1 $0x0;
	s23 =	sadd.s32 @!p1 s23, s8  }
0x131: {  	[tilespmem:s24], [sflag:$0x1] =	stream.linear.gather @!p1 [hbm4b:s23+s24], $0x8000, $0x38;
	[tilespmem:$0x18100] =	vst v63  }
0x132: {  	_ =	swait.ge [sflag:s16], $0x8000  }
0x133: {  	[sflag:s16] =	ssyncset.done $0x0  }
0x134: {  	s23 =	simm.s32 @!p0 $0x4;
	[sflag:s16] =	ssyncadd.s32 $0xFFFF8000  }
0x135: {  	_ =	swait.ge @!p0 [sflag:s23], $0x4000  }
0x136: {  	[sflag:s23] =	ssyncset.done @!p0 $0x0  }
0x137: {  	s25 =	simm.s32 $0x8400;
	[sflag:s23] =	ssyncadd.s32 @!p0 $0xFFFFC000  }
0x138: {  	v3 =	vld [tilespmem:s25+$0x300]  }
0x139: {  	v4 =	vld [tilespmem:s25+$0x380]  }
0x13a: {  	v5 =	vld [tilespmem:s25+$0xFFFFFC80]  }
0x13b: {  	v6 =	vld [tilespmem:s25+$0xFFFFFD00]  }
0x13c: {  	v7 =	vld [tilespmem:s25+$0xFFFFFD80]  }
0x13d: {  	v8 =	vld [tilespmem:s25+$0xFFFFFE00]  }
0x13e: {  	v9 =	vld [tilespmem:s25+$0xFFFFFE80];
	v3 =	vsub.f32 v4, v3  }
0x13f: {  	v10 =	vld [tilespmem:s25+$0xFFFFFF80]  }
0x140: {  	v11 =	vld [tilespmem:s25+$0x0];
	vm0 =	vgt.f32 v3, v2  }
0x141: {  	v12 =	vld [tilespmem:s25+$0x80];
	vm1 =	vgt.f32 v3, v1;
	v3 =	vsel vm0, $0x4, v0  }
0x142: {  	s23 =	simm.s32 $0x14200;
	v13 =	vld [tilespmem:s25+$0x100];
	v3 =	vnsel vm1, $0x1, v3  }
0x143: {  	v4 =	vld [tilespmem:s25+$0xFFFFFF00];
	[tilespmem:s23+$0x180] =	vst v3  }
0x144: {  	v3 =	vsub.f32 v7, v6;
	v6 =	vld [tilespmem:s25+$0x310]  }
0x145: {  	v7 =	vld [tilespmem:s25+$0x390]  }
0x146: {  	v14 =	vld [tilespmem:s25+$0x200];
	v8 =	vsub.f32 v9, v8;
	vm0 =	vgt.f32 v3, v2  }
0x147: {  	v9 =	vld [tilespmem:s25+$0x180];
	vm1 =	vgt.f32 v3, v1;
	v3 =	vsel vm0, $0x4, v0  }
0x148: {  	v4 =	vsub.f32 v10, v4;
	v10 =	vld [tilespmem:s25+$0x280];
	vm0 =	vgt.f32 v8, v2;
	v3 =	vnsel vm1, $0x1, v3  }
0x149: {  	vm1 =	vgt.f32 v8, v1;
	v8 =	vsel vm0, $0x4, v0;
	[tilespmem:s23+$0xFFFFFE80] =	vst v3;
	v3 =	vld [tilespmem:s25+$0xFFFFFC00]  }
0x14a: {  	vm0 =	vgt.f32 v4, v2;
	v8 =	vnsel vm1, $0x1, v8;
	v6 =	vsub.f32 v7, v6;
	v7 =	vld [tilespmem:s25+$0xFFFFFD10]  }
0x14b: {  	vm1 =	vgt.f32 v4, v1;
	v4 =	vsel vm0, $0x4, v0;
	[tilespmem:s23+$0xFFFFFF00] =	vst v8;
	v8 =	vld [tilespmem:s25+$0xFFFFFD90]  }
0x14c: {  	v11 =	vsub.f32 v12, v11;
	v4 =	vnsel vm1, $0x1, v4;
	v33 =	vld [tilespmem:s25+$0xFFFFFE10];
	vm0 =	vgt.f32 v6, v2  }
0x14d: {  	[tilespmem:s23+$0xFFFFFF80] =	vst v4;
	v4 =	vld [tilespmem:s25+$0xFFFFFE90];
	vm1 =	vgt.f32 v6, v1;
	v6 =	vsel vm0, $0x4, v0  }
0x14e: {  	vm0 =	vgt.f32 v11, v2;
	v3 =	vsub.f32 v5, v3;
	v5 =	vnsel vm1, $0x1, v6;
	v6 =	vld [tilespmem:s25+$0xFFFFFF10]  }
0x14f: {  	vm1 =	vgt.f32 v11, v1;
	v11 =	vsel vm0, $0x4, v0;
	[tilespmem:s23+$0x190] =	vst v5;
	v5 =	vld [tilespmem:s25+$0xFFFFFF90]  }
0x150: {  	v9 =	vsub.f32 v9, v13;
	v11 =	vnsel vm1, $0x1, v11;
	vm0 =	vgt.f32 v3, v2;
	v34 =	vld [tilespmem:s25+$0x320]  }
0x151: {  	[tilespmem:s23+$0x0] =	vst v11;
	vm1 =	vgt.f32 v3, v1;
	v11 =	vld [tilespmem:s25+$0x3A0];
	v3 =	vsel vm0, $0x4, v0  }
0x152: {  	v10 =	vsub.f32 v10, v14;
	vm0 =	vgt.f32 v9, v2;
	v35 =	vld [tilespmem:s25+$0x10];
	v3 =	vnsel vm1, $0x1, v3  }
0x153: {  	vm1 =	vgt.f32 v9, v1;
	v9 =	vsel vm0, $0x4, v0;
	[tilespmem:s23+$0xFFFFFE00] =	vst v3;
	v3 =	vld [tilespmem:s25+$0x90]  }
0x154: {  	v7 =	vsub.f32 v8, v7;
	vm0 =	vgt.f32 v10, v2;
	v9 =	vnsel vm1, $0x1, v9;
	v8 =	vld [tilespmem:s25+$0xFFFFFC10]  }
0x155: {  	vm1 =	vgt.f32 v10, v1;
	v10 =	vsel vm0, $0x4, v0;
	[tilespmem:s23+$0x80] =	vst v9;
	v9 =	vld [tilespmem:s25+$0xFFFFFC90]  }
0x156: {  	vm0 =	vgt.f32 v7, v2;
	v10 =	vnsel vm1, $0x1, v10;
	v11 =	vsub.f32 v11, v34;
	v36 =	vld [tilespmem:s25+$0x110]  }
0x157: {  	vm1 =	vgt.f32 v7, v1;
	v7 =	vsel vm0, $0x4, v0;
	[tilespmem:s23+$0x100] =	vst v10;
	v10 =	vld [tilespmem:s25+$0x190]  }
0x158: {  	v4 =	vsub.f32 v4, v33;
	v7 =	vnsel vm1, $0x1, v7;
	v37 =	vld [tilespmem:s25+$0x210];
	vm0 =	vgt.f32 v11, v2  }
0x159: {  	[tilespmem:s23+$0xFFFFFE90] =	vst v7;
	v7 =	vld [tilespmem:s25+$0x290];
	vm1 =	vgt.f32 v11, v1;
	v11 =	vsel vm0, $0x4, v0  }
0x15a: {  	v5 =	vsub.f32 v5, v6;
	vm0 =	vgt.f32 v4, v2;
	v6 =	vnsel vm1, $0x1, v11;
	v11 =	vld [tilespmem:s25+$0xFFFFFD20]  }
0x15b: {  	vm1 =	vgt.f32 v4, v1;
	v4 =	vsel vm0, $0x4, v0;
	v8 =	vsub.f32 v9, v8;
	v9 =	vld [tilespmem:s25+$0xFFFFFDA0];
	[tilespmem:s23+$0x1A0] =	vst v6  }
0x15c: {  	vm2 =	vgt.f32 v5, v1;
	vm0 =	vgt.f32 v5, v2;
	v4 =	vnsel vm1, $0x1, v4;
	v5 =	vld [tilespmem:s25+$0x330]  }
0x15d: {  	v3 =	vsub.f32 v3, v35;
	v6 =	vsel vm0, $0x4, v0;
	[tilespmem:s23+$0xFFFFFF10] =	vst v4;
	vm0 =	vgt.f32 v8, v2;
	v4 =	vld [tilespmem:s25+$0x3B0]  }
0x15e: {  	v6 =	vnsel vm2, $0x1, v6;
	vm1 =	vgt.f32 v8, v1;
	v8 =	vsel vm0, $0x4, v0;
	v38 =	vld [tilespmem:s25+$0xFFFFFE20]  }
0x15f: {  	[tilespmem:s23+$0xFFFFFF90] =	vst v6;
	v6 =	vnsel vm1, $0x1, v8;
	v8 =	vld [tilespmem:s25+$0xFFFFFEA0]  }
0x160: {  	v10 =	vsub.f32 v10, v36;
	vm0 =	vgt.f32 v3, v2;
	[tilespmem:s23+$0xFFFFFE10] =	vst v6;
	v6 =	vld [tilespmem:s25+$0xFFFFFF20]  }
0x161: {  	vm1 =	vgt.f32 v3, v1;
	v3 =	vsel vm0, $0x4, v0;
	v39 =	vld [tilespmem:s25+$0xFFFFFC20]  }
0x162: {  	vm0 =	vgt.f32 v10, v2;
	v3 =	vnsel vm1, $0x1, v3;
	v4 =	vsub.f32 v4, v5;
	v5 =	vld [tilespmem:s25+$0xFFFFFCA0]  }
0x163: {  	vm1 =	vgt.f32 v10, v1;
	v10 =	vld [tilespmem:s25+$0xFFFFFFA0];
	[tilespmem:s23+$0x10] =	vst v3;
	v3 =	vsel vm0, $0x4, v0  }
0x164: {  	v7 =	vsub.f32 v7, v37;
	v3 =	vnsel vm1, $0x1, v3;
	v40 =	vld [tilespmem:s25+$0x20];
	vm0 =	vgt.f32 v4, v2  }
0x165: {  	[tilespmem:s23+$0x90] =	vst v3;
	v3 =	vld [tilespmem:s25+$0xA0];
	vm1 =	vgt.f32 v4, v1;
	v4 =	vsel vm0, $0x4, v0  }
0x166: {  	v9 =	vsub.f32 v9, v11;
	v11 =	vld [tilespmem:s25+$0x120];
	vm0 =	vgt.f32 v7, v2;
	v4 =	vnsel vm1, $0x1, v4  }
0x167: {  	v41 =	vld [tilespmem:s25+$0x1A0];
	vm1 =	vgt.f32 v7, v1;
	v7 =	vsel vm0, $0x4, v0;
	v5 =	vsub.f32 v5, v39;
	[tilespmem:s23+$0x1B0] =	vst v4  }
0x168: {  	v8 =	vsub.f32 v8, v38;
	v4 =	vnsel vm1, $0x1, v7;
	vm1 =	vgt.f32 v9, v2;
	v7 =	vld [tilespmem:s25+$0x340]  }
0x169: {  	vm0 =	vgt.f32 v9, v1;
	[tilespmem:s23+$0x110] =	vst v4;
	v4 =	vsel vm1, $0x4, v0;
	v9 =	vld [tilespmem:s25+$0x3C0];
	vm1 =	vgt.f32 v5, v2  }
0x16a: {  	v4 =	vnsel vm0, $0x1, v4;
	vm0 =	vgt.f32 v5, v1;
	v42 =	vld [tilespmem:s25+$0x220];
	v5 =	vsel vm1, $0x4, v0  }
0x16b: {  	[tilespmem:s23+$0xFFFFFEA0] =	vst v4;
	v4 =	vnsel vm0, $0x1, v5;
	v5 =	vld [tilespmem:s25+$0x2A0]  }
0x16c: {  	v6 =	vsub.f32 v10, v6;
	vm0 =	vgt.f32 v8, v2;
	[tilespmem:s23+$0xFFFFFE20] =	vst v4;
	v4 =	vld [tilespmem:s25+$0xFFFFFD30]  }
0x16d: {  	vm1 =	vgt.f32 v8, v1;
	v8 =	vsel vm0, $0x4, v0;
	v10 =	vld [tilespmem:s25+$0xFFFFFC30]  }
0x16e: {  	vm0 =	vgt.f32 v6, v2;
	v8 =	vnsel vm1, $0x1, v8;
	v7 =	vsub.f32 v9, v7;
	v9 =	vld [tilespmem:s25+$0xFFFFFCB0]  }
0x16f: {  	vm1 =	vgt.f32 v6, v1;
	v6 =	vsel vm0, $0x4, v0;
	[tilespmem:s23+$0xFFFFFF20] =	vst v8;
	v8 =	vld [tilespmem:s25+$0xFFFFFDB0]  }
0x170: {  	v3 =	vsub.f32 v3, v40;
	v6 =	vnsel vm1, $0x1, v6;
	v43 =	vld [tilespmem:s25+$0xFFFFFE30];
	vm0 =	vgt.f32 v7, v2  }
0x171: {  	[tilespmem:s23+$0xFFFFFFA0] =	vst v6;
	v6 =	vld [tilespmem:s25+$0xFFFFFEB0];
	vm1 =	vgt.f32 v7, v1;
	v7 =	vsel vm0, $0x4, v0  }
0x172: {  	v11 =	vsub.f32 v41, v11;
	vm0 =	vgt.f32 v3, v2;
	v44 =	vld [tilespmem:s25+$0xFFFFFF30];
	v7 =	vnsel vm1, $0x1, v7  }
0x173: {  	vm1 =	vgt.f32 v3, v1;
	v3 =	vsel vm0, $0x4, v0;
	[tilespmem:s23+$0x1C0] =	vst v7;
	v7 =	vld [tilespmem:s25+$0xFFFFFFB0]  }
0x174: {  	v5 =	vsub.f32 v5, v42;
	vm0 =	vgt.f32 v11, v2;
	v3 =	vnsel vm1, $0x1, v3;
	v45 =	vld [tilespmem:s25+$0x350]  }
0x175: {  	vm1 =	vgt.f32 v11, v1;
	v11 =	vsel vm0, $0x4, v0;
	[tilespmem:s23+$0x20] =	vst v3;
	v3 =	vld [tilespmem:s25+$0x3D0]  }
0x176: {  	vm0 =	vgt.f32 v5, v2;
	v9 =	vsub.f32 v9, v10;
	v11 =	vnsel vm1, $0x1, v11;
	v10 =	vld [tilespmem:s25+$0x30]  }
0x177: {  	vm1 =	vgt.f32 v5, v1;
	v5 =	vsel vm0, $0x4, v0;
	[tilespmem:s23+$0xA0] =	vst v11;
	v11 =	vld [tilespmem:s25+$0xB0]  }
0x178: {  	v4 =	vsub.f32 v8, v4;
	v5 =	vnsel vm1, $0x1, v5;
	vm0 =	vgt.f32 v9, v2;
	v8 =	vld [tilespmem:s25+$0x130]  }
0x179: {  	vm1 =	vgt.f32 v9, v1;
	[tilespmem:s23+$0x120] =	vst v5;
	v5 =	vsel vm0, $0x4, v0;
	v9 =	vld [tilespmem:s25+$0x1B0]  }
0x17a: {  	vm0 =	vgt.f32 v4, v2;
	v5 =	vnsel vm1, $0x1, v5;
	v46 =	vld [tilespmem:s25+$0x230];
	v3 =	vsub.f32 v3, v45  }
0x17b: {  	vm1 =	vgt.f32 v4, v1;
	v4 =	vsel vm0, $0x4, v0;
	[tilespmem:s23+$0xFFFFFE30] =	vst v5;
	v5 =	vld [tilespmem:s25+$0x2B0]  }
0x17c: {  	v6 =	vsub.f32 v6, v43;
	v4 =	vnsel vm1, $0x1, v4;
	v47 =	vld [tilespmem:s25+$0xFFFFFC40];
	vm0 =	vgt.f32 v3, v2  }
0x17d: {  	[tilespmem:s23+$0xFFFFFEB0] =	vst v4;
	v4 =	vld [tilespmem:s25+$0xFFFFFCC0];
	vm1 =	vgt.f32 v3, v1;
	v3 =	vsel vm0, $0x4, v0  }
0x17e: {  	v7 =	vsub.f32 v7, v44;
	v48 =	vld [tilespmem:s25+$0xFFFFFD40];
	vm0 =	vgt.f32 v6, v2;
	v3 =	vnsel vm1, $0x1, v3  }
0x17f: {  	vm1 =	vgt.f32 v6, v1;
	v6 =	vsel vm0, $0x4, v0;
	[tilespmem:s23+$0x1D0] =	vst v3;
	v3 =	vld [tilespmem:s25+$0xFFFFFDC0]  }
0x180: {  	v10 =	vsub.f32 v11, v10;
	vm0 =	vgt.f32 v7, v2;
	v6 =	vnsel vm1, $0x1, v6;
	v11 =	vld [tilespmem:s25+$0x360]  }
0x181: {  	v8 =	vsub.f32 v9, v8;
	vm1 =	vgt.f32 v7, v1;
	v7 =	vsel vm0, $0x4, v0;
	[tilespmem:s23+$0xFFFFFF30] =	vst v6;
	v6 =	vld [tilespmem:s25+$0x3E0]  }
0x182: {  	v5 =	vsub.f32 v5, v46;
	vm0 =	vgt.f32 v10, v2;
	v7 =	vnsel vm1, $0x1, v7;
	v9 =	vld [tilespmem:s25+$0xFFFFFE40]  }
0x183: {  	vm1 =	vgt.f32 v10, v1;
	[tilespmem:s23+$0xFFFFFFB0] =	vst v7;
	v7 =	vsel vm0, $0x4, v0;
	v10 =	vld [tilespmem:s25+$0xFFFFFEC0];
	vm0 =	vgt.f32 v8, v2  }
0x184: {  	v7 =	vnsel vm1, $0x1, v7;
	v49 =	vld [tilespmem:s25+$0xFFFFFF40];
	vm1 =	vgt.f32 v8, v1;
	v8 =	vsel vm0, $0x4, v0  }
0x185: {  	[tilespmem:s23+$0x30] =	vst v7;
	v7 =	vld [tilespmem:s25+$0xFFFFFFC0];
	v8 =	vnsel vm1, $0x1, v8  }
0x186: {  	vm0 =	vgt.f32 v5, v2;
	[tilespmem:s23+$0xB0] =	vst v8;
	v8 =	vld [tilespmem:s25+$0xC0];
	v6 =	vsub.f32 v6, v11  }
0x187: {  	vm1 =	vgt.f32 v5, v1;
	v5 =	vsel vm0, $0x4, v0;
	v11 =	vld [tilespmem:s25+$0x40]  }
0x188: {  	v4 =	vsub.f32 v4, v47;
	v5 =	vnsel vm1, $0x1, v5;
	v50 =	vld [tilespmem:s25+$0x140];
	vm0 =	vgt.f32 v6, v2  }
0x189: {  	[tilespmem:s23+$0x130] =	vst v5;
	v5 =	vld [tilespmem:s25+$0x1C0];
	vm1 =	vgt.f32 v6, v1;
	v6 =	vsel vm0, $0x4, v0  }
0x18a: {  	v3 =	vsub.f32 v3, v48;
	v51 =	vld [tilespmem:s25+$0x240];
	vm0 =	vgt.f32 v4, v2;
	v6 =	vnsel vm1, $0x1, v6  }
0x18b: {  	vm1 =	vgt.f32 v4, v1;
	v4 =	vsel vm0, $0x4, v0;
	[tilespmem:s23+$0x1E0] =	vst v6;
	v6 =	vld [tilespmem:s25+$0x2C0]  }
0x18c: {  	v9 =	vsub.f32 v10, v9;
	vm0 =	vgt.f32 v3, v2;
	v4 =	vnsel vm1, $0x1, v4;
	v10 =	vld [tilespmem:s25+$0x370]  }
0x18d: {  	vm1 =	vgt.f32 v3, v1;
	v3 =	vsel vm0, $0x4, v0;
	[tilespmem:s23+$0xFFFFFE40] =	vst v4;
	v4 =	vld [tilespmem:s25+$0x3F0]  }
0x18e: {  	v7 =	vsub.f32 v7, v49;
	vm0 =	vgt.f32 v9, v2;
	v3 =	vnsel vm1, $0x1, v3;
	v52 =	vld [tilespmem:s25+$0xFFFFFC50]  }
0x18f: {  	vm1 =	vgt.f32 v9, v1;
	[tilespmem:s23+$0xFFFFFEC0] =	vst v3;
	v3 =	vsel vm0, $0x4, v0;
	v9 =	vld [tilespmem:s25+$0xFFFFFCD0]  }
0x190: {  	v8 =	vsub.f32 v8, v11;
	vm0 =	vgt.f32 v7, v2;
	v3 =	vnsel vm1, $0x1, v3;
	v11 =	vld [tilespmem:s25+$0xFFFFFD50]  }
0x191: {  	vm1 =	vgt.f32 v7, v1;
	v7 =	vsel vm0, $0x4, v0;
	[tilespmem:s23+$0xFFFFFF40] =	vst v3;
	v3 =	vld [tilespmem:s25+$0xFFFFFDD0]  }
0x192: {  	v5 =	vsub.f32 v5, v50;
	vm0 =	vgt.f32 v8, v2;
	v7 =	vnsel vm1, $0x1, v7;
	v53 =	vld [tilespmem:s25+$0xFFFFFE50]  }
0x193: {  	vm1 =	vgt.f32 v8, v1;
	v8 =	vsel vm0, $0x4, v0;
	[tilespmem:s23+$0xFFFFFFC0] =	vst v7;
	v7 =	vld [tilespmem:s25+$0xFFFFFED0]  }
0x194: {  	vm0 =	vgt.f32 v5, v2;
	v6 =	vsub.f32 v6, v51;
	v8 =	vnsel vm1, $0x1, v8;
	v54 =	vld [tilespmem:s25+$0xFFFFFF50]  }
0x195: {  	vm1 =	vgt.f32 v5, v1;
	v5 =	vsel vm0, $0x4, v0;
	[tilespmem:s23+$0x40] =	vst v8;
	v8 =	vld [tilespmem:s25+$0xFFFFFFD0]  }
0x196: {  	v5 =	vnsel vm1, $0x1, v5;
	vm0 =	vgt.f32 v6, v2;
	v9 =	vsub.f32 v9, v52;
	v55 =	vld [tilespmem:s25+$0x50]  }
0x197: {  	vm1 =	vgt.f32 v6, v1;
	[tilespmem:s23+$0xC0] =	vst v5;
	v5 =	vld [tilespmem:s25+$0xD0];
	v6 =	vsel vm0, $0x4, v0  }
0x198: {  	v6 =	vnsel vm1, $0x1, v6;
	vm0 =	vgt.f32 v9, v2;
	v3 =	vsub.f32 v3, v11;
	v11 =	vld [tilespmem:s25+$0x150]  }
0x199: {  	vm1 =	vgt.f32 v9, v1;
	v9 =	vld [tilespmem:s25+$0x1D0];
	[tilespmem:s23+$0x140] =	vst v6;
	v6 =	vsel vm0, $0x4, v0  }
0x19a: {  	v7 =	vsub.f32 v7, v53;
	vm0 =	vgt.f32 v3, v2;
	v6 =	vnsel vm1, $0x1, v6;
	v56 =	vld [tilespmem:s25+$0x250]  }
0x19b: {  	vm1 =	vgt.f32 v3, v1;
	v3 =	vsel vm0, $0x4, v0;
	[tilespmem:s23+$0xFFFFFE50] =	vst v6;
	v6 =	vld [tilespmem:s25+$0x2D0]  }
0x19c: {  	v8 =	vsub.f32 v8, v54;
	vm0 =	vgt.f32 v7, v2;
	v3 =	vnsel vm1, $0x1, v3;
	v57 =	vld [tilespmem:s25+$0xFFFFFC60]  }
0x19d: {  	vm1 =	vgt.f32 v7, v1;
	v7 =	vsel vm0, $0x4, v0;
	[tilespmem:s23+$0xFFFFFED0] =	vst v3;
	v3 =	vld [tilespmem:s25+$0xFFFFFCE0]  }
0x19e: {  	v5 =	vsub.f32 v5, v55;
	vm0 =	vgt.f32 v8, v2;
	v7 =	vnsel vm1, $0x1, v7;
	v58 =	vld [tilespmem:s25+$0xFFFFFD60]  }
0x19f: {  	vm1 =	vgt.f32 v8, v1;
	v8 =	vsel vm0, $0x4, v0;
	[tilespmem:s23+$0xFFFFFF50] =	vst v7;
	v7 =	vld [tilespmem:s25+$0xFFFFFDE0]  }
0x1a0: {  	v9 =	vsub.f32 v9, v11;
	vm0 =	vgt.f32 v5, v2;
	v8 =	vnsel vm1, $0x1, v8;
	v11 =	vld [tilespmem:s25+$0xFFFFFE60]  }
0x1a1: {  	vm1 =	vgt.f32 v5, v1;
	v5 =	vsel vm0, $0x4, v0;
	[tilespmem:s23+$0xFFFFFFD0] =	vst v8;
	v8 =	vld [tilespmem:s25+$0xFFFFFEE0]  }
0x1a2: {  	vm0 =	vgt.f32 v9, v2;
	v5 =	vnsel vm1, $0x1, v5;
	v6 =	vsub.f32 v6, v56;
	v59 =	vld [tilespmem:s25+$0xFFFFFF60]  }
0x1a3: {  	vm1 =	vgt.f32 v9, v1;
	v9 =	vsel vm0, $0x4, v0;
	[tilespmem:s23+$0x50] =	vst v5;
	v5 =	vld [tilespmem:s25+$0xFFFFFFE0]  }
0x1a4: {  	v9 =	vnsel vm1, $0x1, v9;
	v60 =	vld [tilespmem:s25+$0x60];
	vm0 =	vgt.f32 v6, v2;
	v3 =	vsub.f32 v3, v57  }
0x1a5: {  	v4 =	vsub.f32 v4, v10;
	vm1 =	vgt.f32 v6, v1;
	[tilespmem:s23+$0xD0] =	vst v9;
	v9 =	vld [tilespmem:s25+$0xE0];
	v6 =	vsel vm0, $0x4, v0  }
0x1a6: {  	v7 =	vsub.f32 v7, v58;
	v10 =	vld [tilespmem:s25+$0x160];
	v6 =	vnsel vm1, $0x1, v6;
	vm0 =	vgt.f32 v3, v2  }
0x1a7: {  	vm1 =	vgt.f32 v4, v2;
	vm2 =	vgt.f32 v3, v1;
	[tilespmem:s23+$0x150] =	vst v6;
	v3 =	vsel vm0, $0x4, v0;
	v6 =	vld [tilespmem:s25+$0x1E0]  }
0x1a8: {  	v8 =	vsub.f32 v8, v11;
	vm0 =	vgt.f32 v7, v2;
	v3 =	vnsel vm2, $0x1, v3;
	v11 =	vld [tilespmem:s25+$0x260]  }
0x1a9: {  	vm3 =	vgt.f32 v7, v1;
	vm2 =	vgt.f32 v4, v1;
	v4 =	vsel vm0, $0x4, v0;
	[tilespmem:s23+$0xFFFFFE60] =	vst v3;
	v3 =	vld [tilespmem:s25+$0x2E0]  }
0x1aa: {  	v5 =	vsub.f32 v5, v59;
	vm0 =	vgt.f32 v8, v2;
	v4 =	vnsel vm3, $0x1, v4;
	v7 =	vld [tilespmem:s25+$0xFFFFFC70]  }
0x1ab: {  	v61 =	vsel vm1, $0x4, v0;
	vm1 =	vgt.f32 v8, v1;
	v8 =	vsel vm0, $0x4, v0;
	[tilespmem:s23+$0xFFFFFEE0] =	vst v4;
	v4 =	vld [tilespmem:s25+$0xFFFFFCF0]  }
0x1ac: {  	v9 =	vsub.f32 v9, v60;
	vm0 =	vgt.f32 v5, v2;
	v8 =	vnsel vm1, $0x1, v8;
	v62 =	vld [tilespmem:s25+$0xFFFFFD70]  }
0x1ad: {  	v12 =	vnsel vm2, $0x1, v61;
	vm1 =	vgt.f32 v5, v1;
	v5 =	vsel vm0, $0x4, v0;
	[tilespmem:s23+$0xFFFFFF60] =	vst v8;
	v8 =	vld [tilespmem:s25+$0xFFFFFDF0]  }
0x1ae: {  	vm0 =	vgt.f32 v9, v2;
	v5 =	vnsel vm1, $0x1, v5;
	v6 =	vsub.f32 v6, v10;
	v10 =	vld [tilespmem:s25+$0xFFFFFE70]  }
0x1af: {  	vm1 =	vgt.f32 v9, v1;
	v9 =	vsel vm0, $0x4, v0;
	[tilespmem:s23+$0xFFFFFFE0] =	vst v5;
	v3 =	vsub.f32 v3, v11;
	v11 =	vld [tilespmem:s25+$0xFFFFFEF0]  }
0x1b0: {  	v5 =	vnsel vm1, $0x1, v9;
	v9 =	vld [tilespmem:s25+$0xFFFFFF70];
	vm0 =	vgt.f32 v6, v1;
	vm2 =	vgt.f32 v6, v2  }
0x1b1: {  	v63 =	vld [tilespmem:s25+$0xFFFFFFF0];
	[tilespmem:s23+$0x60] =	vst v5;
	v6 =	vsel vm2, $0x4, v0;
	v4 =	vsub.f32 v4, v7;
	vm1 =	vgt.f32 v3, v2  }
0x1b2: {  	v5 =	vnsel vm0, $0x1, v6;
	vm0 =	vgt.f32 v3, v1;
	v3 =	vld [tilespmem:s25+$0x70];
	v6 =	vsel vm1, $0x4, v0  }
0x1b3: {  	v7 =	vsub.f32 v8, v62;
	[tilespmem:s23+$0xE0] =	vst v5;
	v5 =	vld [tilespmem:s25+$0xF0];
	v6 =	vnsel vm0, $0x1, v6;
	vm0 =	vgt.f32 v4, v2  }
0x1b4: {  	vm1 =	vgt.f32 v4, v1;
	v4 =	vld [tilespmem:s25+$0x170];
	v8 =	vsel vm0, $0x4, v0;
	v10 =	vsub.f32 v11, v10  }
0x1b5: {  	[tilespmem:s23+$0x160] =	vst v6;
	vm0 =	vgt.f32 v7, v2;
	v8 =	vnsel vm1, $0x1, v8;
	vm1 =	vgt.f32 v7, v1;
	v7 =	vld [tilespmem:s25+$0x1F0]  }
0x1b6: {  	s22 =	sshll.u32 s22, $0xE;
	[tilespmem:s23+$0x1F0] =	vst v12;
	v9 =	vsub.f32 v63, v9;
	v11 =	vsel vm0, $0x4, v0;
	v6 =	vld [tilespmem:s25+$0x270];
	vm2 =	vgt.f32 v10, v2  }
0x1b7: {  	s22 =	sadd.s32 s7, s22;
	s24 =	simm.s32 $0x0;
	vm0 =	vgt.f32 v10, v1;
	[tilespmem:s23+$0xFFFFFE70] =	vst v8;
	v10 =	vnsel vm1, $0x1, v11;
	v8 =	vld [tilespmem:s25+$0x2F0];
	s25 =	simm.s32 $0x8C00;
	v11 =	vsel vm2, $0x4, v0  }
.LBB2_5:
0x1b8: {  	v12 =	vld [tilespmem:s25+$0x300];
	[tilespmem:s23+$0xFFFFFEF0] =	vst v10;
	vm1 =	vgt.f32 v9, v1;
	vm2 =	vgt.f32 v9, v2;
	v3 =	vsub.f32 v5, v3  }
0x1b9: {  	v9 =	vnsel vm0, $0x1, v11;
	v5 =	vld [tilespmem:s25+$0x380];
	v10 =	vsel vm2, $0x4, v0  }
0x1ba: {  	v11 =	vld [tilespmem:s25+$0xFFFFFC80];
	[tilespmem:s23+$0xFFFFFF70] =	vst v9;
	vm0 =	vgt.f32 v3, v1;
	vm2 =	vgt.f32 v3, v2;
	v3 =	vsub.f32 v7, v4  }
0x1bb: {  	v7 =	vnsel vm1, $0x1, v10;
	v4 =	vld [tilespmem:s25+$0xFFFFFD00];
	v9 =	vsel vm2, $0x4, v0  }
0x1bc: {  	v10 =	vld [tilespmem:s25+$0xFFFFFD80];
	[tilespmem:s23+$0xFFFFFFF0] =	vst v7;
	vm1 =	vgt.f32 v3, v1;
	vm2 =	vgt.f32 v3, v2;
	v3 =	vsub.f32 v8, v6  }
0x1bd: {  	v7 =	vnsel vm0, $0x1, v9;
	v6 =	vld [tilespmem:s25+$0xFFFFFE00];
	v8 =	vsel vm2, $0x4, v0  }
0x1be: {  	v9 =	vld [tilespmem:s25+$0xFFFFFE80];
	v5 =	vsub.f32 v5, v12;
	[tilespmem:s23+$0x70] =	vst v7;
	vm0 =	vgt.f32 v3, v1;
	vm2 =	vgt.f32 v3, v2  }
0x1bf: {  	v7 =	vnsel vm1, $0x1, v8;
	v3 =	vld [tilespmem:s25+$0xFFFFFF00];
	v8 =	vsel vm2, $0x4, v0  }
0x1c0: {  	s24 =	sadd.s32 $0x8, s24;
	v12 =	vld [tilespmem:s25+$0xFFFFFF80];
	vm1 =	vgt.f32 v5, v2;
	[tilespmem:s23+$0xF0] =	vst v7;
	v7 =	vnsel vm0, $0x1, v8  }
0x1c1: {  	p0 =	slt.u32 s24, $0x78;
	vm0 =	vgt.f32 v5, v1;
	v4 =	vsub.f32 v10, v4;
	v8 =	vld [tilespmem:s25+$0x0];
	v5 =	vsel vm1, $0x4, v0;
	[tilespmem:s23+$0x170] =	vst v7  }
0x1c2: {  	s23 =	sadd.s32 $0x400, s23;
	v7 =	vld [tilespmem:s25+$0x80];
	v5 =	vnsel vm0, $0x1, v5  }
0x1c3: {  	vm0 =	vgt.f32 v4, v1;
	vm1 =	vgt.f32 v4, v2;
	v4 =	vsub.f32 v9, v6;
	v6 =	vld [tilespmem:s25+$0x100];
	[tilespmem:s23+$0x180] =	vst v5  }
0x1c4: {  	v5 =	vsel vm1, $0x4, v0;
	v9 =	vld [tilespmem:s25+$0x310]  }
0x1c5: {  	vm1 =	vgt.f32 v4, v1;
	vm2 =	vgt.f32 v4, v2;
	v3 =	vsub.f32 v12, v3;
	v4 =	vld [tilespmem:s25+$0x390]  }
0x1c6: {  	v5 =	vnsel vm0, $0x1, v5;
	v10 =	vsel vm2, $0x4, v0;
	v12 =	vld [tilespmem:s25+$0x180]  }
0x1c7: {  	[tilespmem:s23+$0xFFFFFE80] =	vst v5;
	vm0 =	vgt.f32 v3, v1;
	vm2 =	vgt.f32 v3, v2;
	v3 =	vsub.f32 v7, v8;
	v5 =	vld [tilespmem:s25+$0x200]  }
0x1c8: {  	v7 =	vnsel vm1, $0x1, v10;
	v8 =	vsel vm2, $0x4, v0;
	v10 =	vld [tilespmem:s25+$0x280]  }
0x1c9: {  	v13 =	vld [tilespmem:s25+$0xFFFFFC00];
	[tilespmem:s23+$0xFFFFFF00] =	vst v7;
	v7 =	vnsel vm0, $0x1, v8;
	vm0 =	vgt.f32 v3, v1;
	vm1 =	vgt.f32 v3, v2  }
0x1ca: {  	v3 =	vld [tilespmem:s25+$0xFFFFFD10];
	[tilespmem:s23+$0xFFFFFF80] =	vst v7;
	v7 =	vsel vm1, $0x4, v0;
	v4 =	vsub.f32 v4, v9  }
0x1cb: {  	v8 =	vld [tilespmem:s25+$0xFFFFFD90];
	v7 =	vnsel vm0, $0x1, v7;
	v6 =	vsub.f32 v12, v6  }
0x1cc: {  	v9 =	vld [tilespmem:s25+$0xFFFFFE10];
	[tilespmem:s23+$0x0] =	vst v7;
	vm0 =	vgt.f32 v4, v2  }
0x1cd: {  	vm1 =	vgt.f32 v4, v1;
	v7 =	vld [tilespmem:s25+$0xFFFFFE90];
	v5 =	vsub.f32 v10, v5;
	v4 =	vsel vm0, $0x4, v0  }
0x1ce: {  	vm0 =	vgt.f32 v6, v2;
	v10 =	vsub.f32 v11, v13;
	v11 =	vld [tilespmem:s25+$0xFFFFFF10];
	v4 =	vnsel vm1, $0x1, v4  }
0x1cf: {  	vm1 =	vgt.f32 v6, v1;
	v6 =	vsel vm0, $0x4, v0;
	v12 =	vld [tilespmem:s25+$0xFFFFFF90];
	vm0 =	vgt.f32 v5, v2;
	[tilespmem:s23+$0x190] =	vst v4  }
0x1d0: {  	vm2 =	vgt.f32 v10, v1;
	vm3 =	vgt.f32 v10, v2;
	v4 =	vsel vm0, $0x4, v0;
	v10 =	vld [tilespmem:s25+$0x320]  }
0x1d1: {  	v6 =	vnsel vm1, $0x1, v6;
	vm0 =	vgt.f32 v5, v1;
	v13 =	vsel vm3, $0x4, v0;
	v5 =	vld [tilespmem:s25+$0x3A0]  }
0x1d2: {  	v3 =	vsub.f32 v8, v3;
	v4 =	vnsel vm0, $0x1, v4;
	v13 =	vnsel vm2, $0x1, v13;
	v8 =	vld [tilespmem:s25+$0x10];
	[tilespmem:s23+$0x80] =	vst v6  }
0x1d3: {  	v6 =	vsub.f32 v7, v9;
	[tilespmem:s23+$0xFFFFFE00] =	vst v13;
	v7 =	vld [tilespmem:s25+$0x90]  }
0x1d4: {  	vm0 =	vgt.f32 v3, v1;
	vm1 =	vgt.f32 v3, v2;
	v9 =	vld [tilespmem:s25+$0xFFFFFC10];
	v3 =	vsub.f32 v12, v11;
	[tilespmem:s23+$0x100] =	vst v4  }
0x1d5: {  	v11 =	vsel vm1, $0x4, v0;
	vm1 =	vgt.f32 v6, v1;
	vm2 =	vgt.f32 v6, v2;
	v4 =	vld [tilespmem:s25+$0xFFFFFC90]  }
0x1d6: {  	v6 =	vsel vm2, $0x4, v0;
	vm2 =	vgt.f32 v3, v2;
	v12 =	vld [tilespmem:s25+$0x110];
	v5 =	vsub.f32 v5, v10  }
0x1d7: {  	v10 =	vnsel vm0, $0x1, v11;
	vm0 =	vgt.f32 v3, v1;
	v3 =	vsel vm2, $0x4, v0;
	v11 =	vld [tilespmem:s25+$0x190]  }
0x1d8: {  	v6 =	vnsel vm1, $0x1, v6;
	[tilespmem:s23+$0xFFFFFE90] =	vst v10;
	v7 =	vsub.f32 v7, v8;
	v8 =	vld [tilespmem:s25+$0x210];
	vm1 =	vgt.f32 v5, v2  }
0x1d9: {  	v3 =	vnsel vm0, $0x1, v3;
	vm0 =	vgt.f32 v5, v1;
	[tilespmem:s23+$0xFFFFFF10] =	vst v6;
	v6 =	vld [tilespmem:s25+$0x290];
	v5 =	vsel vm1, $0x4, v0  }
0x1da: {  	v4 =	vsub.f32 v4, v9;
	v9 =	vld [tilespmem:s25+$0xFFFFFD20];
	[tilespmem:s23+$0xFFFFFF90] =	vst v3;
	vm1 =	vgt.f32 v7, v2;
	v3 =	vnsel vm0, $0x1, v5  }
0x1db: {  	vm0 =	vgt.f32 v7, v1;
	v5 =	vld [tilespmem:s25+$0xFFFFFDA0];
	v7 =	vsel vm1, $0x4, v0;
	[tilespmem:s23+$0x1A0] =	vst v3  }
0x1dc: {  	vm1 =	vgt.f32 v4, v1;
	vm2 =	vgt.f32 v4, v2;
	v3 =	vsub.f32 v11, v12;
	v4 =	vld [tilespmem:s25+$0x330]  }
0x1dd: {  	v7 =	vnsel vm0, $0x1, v7;
	v10 =	vsel vm2, $0x4, v0;
	v11 =	vld [tilespmem:s25+$0x3B0]  }
0x1de: {  	v12 =	vld [tilespmem:s25+$0xFFFFFE20];
	[tilespmem:s23+$0x10] =	vst v7;
	vm0 =	vgt.f32 v3, v1;
	vm2 =	vgt.f32 v3, v2;
	v3 =	vsub.f32 v6, v8  }
0x1df: {  	v6 =	vnsel vm1, $0x1, v10;
	v7 =	vld [tilespmem:s25+$0xFFFFFEA0];
	v8 =	vsel vm2, $0x4, v0  }
0x1e0: {  	[tilespmem:s23+$0xFFFFFE10] =	vst v6;
	v6 =	vld [tilespmem:s25+$0xFFFFFF20];
	v8 =	vnsel vm0, $0x1, v8;
	vm0 =	vgt.f32 v3, v1;
	vm1 =	vgt.f32 v3, v2  }
0x1e1: {  	v5 =	vsub.f32 v5, v9;
	v3 =	vld [tilespmem:s25+$0xFFFFFC20];
	[tilespmem:s23+$0x90] =	vst v8;
	v8 =	vsel vm1, $0x4, v0  }
0x1e2: {  	v9 =	vld [tilespmem:s25+$0xFFFFFCA0];
	v8 =	vnsel vm0, $0x1, v8;
	v4 =	vsub.f32 v11, v4  }
0x1e3: {  	vm0 =	vgt.f32 v5, v1;
	vm1 =	vgt.f32 v5, v2;
	v5 =	vld [tilespmem:s25+$0xFFFFFFA0];
	[tilespmem:s23+$0x110] =	vst v8  }
0x1e4: {  	v8 =	vsel vm1, $0x4, v0;
	v7 =	vsub.f32 v7, v12;
	v10 =	vld [tilespmem:s25+$0x20];
	vm1 =	vgt.f32 v4, v2  }
0x1e5: {  	v8 =	vnsel vm0, $0x1, v8;
	vm0 =	vgt.f32 v4, v1;
	v11 =	vld [tilespmem:s25+$0xA0];
	v4 =	vsel vm1, $0x4, v0  }
0x1e6: {  	[tilespmem:s23+$0xFFFFFEA0] =	vst v8;
	vm1 =	vgt.f32 v7, v1;
	vm2 =	vgt.f32 v7, v2;
	v7 =	vld [tilespmem:s25+$0x120];
	v4 =	vnsel vm0, $0x1, v4  }
0x1e7: {  	v3 =	vsub.f32 v9, v3;
	v8 =	vsel vm2, $0x4, v0;
	v9 =	vld [tilespmem:s25+$0x1A0];
	[tilespmem:s23+$0x1B0] =	vst v4  }
0x1e8: {  	v4 =	vnsel vm1, $0x1, v8;
	v5 =	vsub.f32 v5, v6;
	v6 =	vld [tilespmem:s25+$0x340]  }
0x1e9: {  	vm0 =	vgt.f32 v3, v1;
	vm1 =	vgt.f32 v3, v2;
	[tilespmem:s23+$0xFFFFFF20] =	vst v4;
	v3 =	vld [tilespmem:s25+$0x3C0]  }
0x1ea: {  	v4 =	vsel vm1, $0x4, v0;
	vm1 =	vgt.f32 v5, v2;
	v8 =	vsub.f32 v11, v10;
	v10 =	vld [tilespmem:s25+$0x220]  }
0x1eb: {  	v4 =	vnsel vm0, $0x1, v4;
	vm0 =	vgt.f32 v5, v1;
	v5 =	vsel vm1, $0x4, v0;
	v11 =	vld [tilespmem:s25+$0x2A0]  }
0x1ec: {  	[tilespmem:s23+$0xFFFFFE20] =	vst v4;
	v4 =	vld [tilespmem:s25+$0xFFFFFD30];
	vm1 =	vgt.f32 v8, v1;
	vm2 =	vgt.f32 v8, v2;
	v7 =	vsub.f32 v9, v7  }
0x1ed: {  	v5 =	vnsel vm0, $0x1, v5;
	v8 =	vld [tilespmem:s25+$0xFFFFFC30];
	v9 =	vsel vm2, $0x4, v0  }
0x1ee: {  	v12 =	vld [tilespmem:s25+$0xFFFFFCB0];
	[tilespmem:s23+$0xFFFFFFA0] =	vst v5;
	vm0 =	vgt.f32 v7, v1;
	vm2 =	vgt.f32 v7, v2;
	v3 =	vsub.f32 v3, v6  }
0x1ef: {  	v6 =	vnsel vm1, $0x1, v9;
	v5 =	vld [tilespmem:s25+$0xFFFFFDB0];
	v7 =	vsel vm2, $0x4, v0  }
0x1f0: {  	v9 =	vld [tilespmem:s25+$0xFFFFFE30];
	[tilespmem:s23+$0x20] =	vst v6;
	v6 =	vnsel vm0, $0x1, v7;
	v7 =	vsub.f32 v11, v10;
	vm0 =	vgt.f32 v3, v2  }
0x1f1: {  	vm1 =	vgt.f32 v3, v1;
	v10 =	vld [tilespmem:s25+$0xFFFFFEB0];
	[tilespmem:s23+$0xA0] =	vst v6;
	v3 =	vsel vm0, $0x4, v0  }
0x1f2: {  	v6 =	vld [tilespmem:s25+$0xFFFFFF30];
	vm0 =	vgt.f32 v7, v1;
	vm2 =	vgt.f32 v7, v2;
	v3 =	vnsel vm1, $0x1, v3  }
0x1f3: {  	v7 =	vsub.f32 v12, v8;
	v8 =	vld [tilespmem:s25+$0xFFFFFFB0];
	v11 =	vsel vm2, $0x4, v0;
	[tilespmem:s23+$0x1C0] =	vst v3  }
0x1f4: {  	v3 =	vsub.f32 v5, v4;
	v4 =	vnsel vm0, $0x1, v11;
	v5 =	vld [tilespmem:s25+$0x350]  }
0x1f5: {  	vm0 =	vgt.f32 v7, v1;
	vm1 =	vgt.f32 v7, v2;
	[tilespmem:s23+$0x120] =	vst v4;
	v4 =	vld [tilespmem:s25+$0x3D0]  }
0x1f6: {  	v7 =	vsel vm1, $0x4, v0;
	vm1 =	vgt.f32 v3, v2;
	v9 =	vsub.f32 v10, v9;
	v10 =	vld [tilespmem:s25+$0x30]  }
0x1f7: {  	v7 =	vnsel vm0, $0x1, v7;
	vm0 =	vgt.f32 v3, v1;
	v3 =	vsel vm1, $0x4, v0;
	v11 =	vld [tilespmem:s25+$0xB0]  }
0x1f8: {  	[tilespmem:s23+$0xFFFFFE30] =	vst v7;
	vm1 =	vgt.f32 v9, v1;
	vm2 =	vgt.f32 v9, v2;
	v6 =	vsub.f32 v8, v6;
	v7 =	vld [tilespmem:s25+$0x130]  }
0x1f9: {  	v3 =	vnsel vm0, $0x1, v3;
	v8 =	vsel vm2, $0x4, v0;
	v9 =	vld [tilespmem:s25+$0x1B0]  }
0x1fa: {  	[tilespmem:s23+$0xFFFFFEB0] =	vst v3;
	vm0 =	vgt.f32 v6, v1;
	vm2 =	vgt.f32 v6, v2;
	v3 =	vld [tilespmem:s25+$0x230];
	v4 =	vsub.f32 v4, v5  }
0x1fb: {  	v5 =	vnsel vm1, $0x1, v8;
	v6 =	vsel vm2, $0x4, v0;
	v8 =	vld [tilespmem:s25+$0x2B0]  }
0x1fc: {  	v12 =	vld [tilespmem:s25+$0xFFFFFC40];
	[tilespmem:s23+$0xFFFFFF30] =	vst v5;
	v5 =	vnsel vm0, $0x1, v6;
	v6 =	vsub.f32 v11, v10;
	vm0 =	vgt.f32 v4, v2  }
0x1fd: {  	vm1 =	vgt.f32 v4, v1;
	v10 =	vld [tilespmem:s25+$0xFFFFFCC0];
	[tilespmem:s23+$0xFFFFFFB0] =	vst v5;
	v4 =	vsel vm0, $0x4, v0  }
0x1fe: {  	v5 =	vld [tilespmem:s25+$0xFFFFFD40];
	vm0 =	vgt.f32 v6, v2;
	v7 =	vsub.f32 v9, v7;
	v4 =	vnsel vm1, $0x1, v4  }
0x1ff: {  	vm1 =	vgt.f32 v6, v1;
	v9 =	vld [tilespmem:s25+$0xFFFFFDC0];
	v6 =	vsel vm0, $0x4, v0;
	[tilespmem:s23+$0x1D0] =	vst v4  }
0x200: {  	vm0 =	vgt.f32 v7, v1;
	vm2 =	vgt.f32 v7, v2;
	v3 =	vsub.f32 v8, v3;
	v4 =	vld [tilespmem:s25+$0x360]  }
0x201: {  	v6 =	vnsel vm1, $0x1, v6;
	v7 =	vsel vm2, $0x4, v0;
	v8 =	vld [tilespmem:s25+$0x3E0]  }
0x202: {  	v11 =	vld [tilespmem:s25+$0xFFFFFE40];
	[tilespmem:s23+$0x30] =	vst v6;
	v6 =	vnsel vm0, $0x1, v7;
	vm0 =	vgt.f32 v3, v1;
	vm1 =	vgt.f32 v3, v2  }
0x203: {  	v3 =	vsub.f32 v10, v12;
	v7 =	vld [tilespmem:s25+$0xFFFFFEC0];
	[tilespmem:s23+$0xB0] =	vst v6;
	v6 =	vsel vm1, $0x4, v0  }
0x204: {  	v5 =	vsub.f32 v9, v5;
	v9 =	vld [tilespmem:s25+$0xFFFFFF40];
	v6 =	vnsel vm0, $0x1, v6  }
0x205: {  	vm0 =	vgt.f32 v3, v1;
	vm1 =	vgt.f32 v3, v2;
	v3 =	vld [tilespmem:s25+$0xFFFFFFC0];
	[tilespmem:s23+$0x130] =	vst v6  }
0x206: {  	v6 =	vsel vm1, $0x4, v0;
	vm1 =	vgt.f32 v5, v2;
	v10 =	vld [tilespmem:s25+$0x40];
	v4 =	vsub.f32 v8, v4  }
0x207: {  	v6 =	vnsel vm0, $0x1, v6;
	vm0 =	vgt.f32 v5, v1;
	v5 =	vsel vm1, $0x4, v0;
	v8 =	vld [tilespmem:s25+$0xC0]  }
0x208: {  	[tilespmem:s23+$0xFFFFFE40] =	vst v6;
	v5 =	vnsel vm0, $0x1, v5;
	v6 =	vsub.f32 v7, v11;
	v7 =	vld [tilespmem:s25+$0x140];
	vm0 =	vgt.f32 v4, v2  }
0x209: {  	vm1 =	vgt.f32 v4, v1;
	[tilespmem:s23+$0xFFFFFEC0] =	vst v5;
	v5 =	vld [tilespmem:s25+$0x1C0];
	v4 =	vsel vm0, $0x4, v0  }
0x20a: {  	vm0 =	vgt.f32 v6, v2;
	v3 =	vsub.f32 v3, v9;
	v9 =	vld [tilespmem:s25+$0x240];
	v4 =	vnsel vm1, $0x1, v4  }
0x20b: {  	vm1 =	vgt.f32 v6, v1;
	v6 =	vsel vm0, $0x4, v0;
	v11 =	vld [tilespmem:s25+$0x2C0];
	[tilespmem:s23+$0x1E0] =	vst v4  }
0x20c: {  	vm0 =	vgt.f32 v3, v1;
	vm2 =	vgt.f32 v3, v2;
	v3 =	vsub.f32 v8, v10;
	v4 =	vld [tilespmem:s25+$0x370]  }
0x20d: {  	v6 =	vnsel vm1, $0x1, v6;
	v8 =	vsel vm2, $0x4, v0;
	v10 =	vld [tilespmem:s25+$0x3F0]  }
0x20e: {  	v12 =	vld [tilespmem:s25+$0xFFFFFC50];
	[tilespmem:s23+$0xFFFFFF40] =	vst v6;
	vm1 =	vgt.f32 v3, v1;
	vm2 =	vgt.f32 v3, v2;
	v3 =	vsub.f32 v5, v7  }
0x20f: {  	v6 =	vnsel vm0, $0x1, v8;
	v5 =	vld [tilespmem:s25+$0xFFFFFCD0];
	v7 =	vsel vm2, $0x4, v0  }
0x210: {  	v8 =	vld [tilespmem:s25+$0xFFFFFD50];
	[tilespmem:s23+$0xFFFFFFC0] =	vst v6;
	vm0 =	vgt.f32 v3, v1;
	vm2 =	vgt.f32 v3, v2;
	v3 =	vsub.f32 v11, v9  }
0x211: {  	v7 =	vnsel vm1, $0x1, v7;
	v6 =	vld [tilespmem:s25+$0xFFFFFDD0];
	v9 =	vsel vm2, $0x4, v0  }
0x212: {  	v11 =	vld [tilespmem:s25+$0xFFFFFE50];
	[tilespmem:s23+$0x40] =	vst v7;
	vm1 =	vgt.f32 v3, v1;
	vm2 =	vgt.f32 v3, v2;
	v3 =	vsub.f32 v10, v4  }
0x213: {  	v7 =	vnsel vm0, $0x1, v9;
	v4 =	vld [tilespmem:s25+$0xFFFFFED0];
	v9 =	vsel vm2, $0x4, v0  }
0x214: {  	v5 =	vsub.f32 v5, v12;
	v10 =	vld [tilespmem:s25+$0xFFFFFF50];
	[tilespmem:s23+$0xC0] =	vst v7;
	v7 =	vnsel vm1, $0x1, v9;
	vm0 =	vgt.f32 v3, v2  }
0x215: {  	vm1 =	vgt.f32 v3, v1;
	v9 =	vld [tilespmem:s25+$0xFFFFFFD0];
	[tilespmem:s23+$0x140] =	vst v7;
	v3 =	vsel vm0, $0x4, v0  }
0x216: {  	vm0 =	vgt.f32 v5, v2;
	v6 =	vsub.f32 v6, v8;
	v7 =	vld [tilespmem:s25+$0x50];
	v3 =	vnsel vm1, $0x1, v3  }
0x217: {  	vm1 =	vgt.f32 v5, v1;
	v5 =	vsel vm0, $0x4, v0;
	v8 =	vld [tilespmem:s25+$0xD0];
	[tilespmem:s23+$0x1F0] =	vst v3  }
0x218: {  	vm0 =	vgt.f32 v6, v1;
	vm2 =	vgt.f32 v6, v2;
	v3 =	vsub.f32 v4, v11;
	v4 =	vld [tilespmem:s25+$0x150]  }
0x219: {  	v5 =	vnsel vm1, $0x1, v5;
	v6 =	vsel vm2, $0x4, v0;
	v11 =	vld [tilespmem:s25+$0x1D0]  }
0x21a: {  	[tilespmem:s23+$0xFFFFFE50] =	vst v5;
	vm1 =	vgt.f32 v3, v1;
	vm2 =	vgt.f32 v3, v2;
	v3 =	vsub.f32 v9, v10;
	v5 =	vld [tilespmem:s25+$0x250]  }
0x21b: {  	v6 =	vnsel vm0, $0x1, v6;
	v9 =	vsel vm2, $0x4, v0;
	v10 =	vld [tilespmem:s25+$0x2D0]  }
0x21c: {  	v12 =	vld [tilespmem:s25+$0xFFFFFC60];
	[tilespmem:s23+$0xFFFFFED0] =	vst v6;
	vm0 =	vgt.f32 v3, v1;
	vm2 =	vgt.f32 v3, v2;
	v3 =	vsub.f32 v8, v7  }
0x21d: {  	v7 =	vnsel vm1, $0x1, v9;
	v6 =	vld [tilespmem:s25+$0xFFFFFCE0];
	v8 =	vsel vm2, $0x4, v0  }
0x21e: {  	v9 =	vld [tilespmem:s25+$0xFFFFFD60];
	[tilespmem:s23+$0xFFFFFF50] =	vst v7;
	vm1 =	vgt.f32 v3, v1;
	vm2 =	vgt.f32 v3, v2;
	v3 =	vsub.f32 v11, v4  }
0x21f: {  	v7 =	vnsel vm0, $0x1, v8;
	v4 =	vld [tilespmem:s25+$0xFFFFFDE0];
	v8 =	vsel vm2, $0x4, v0  }
0x220: {  	v11 =	vld [tilespmem:s25+$0xFFFFFE60];
	[tilespmem:s23+$0xFFFFFFD0] =	vst v7;
	vm0 =	vgt.f32 v3, v1;
	vm2 =	vgt.f32 v3, v2;
	v3 =	vsub.f32 v10, v5  }
0x221: {  	v7 =	vnsel vm1, $0x1, v8;
	v5 =	vld [tilespmem:s25+$0xFFFFFEE0];
	v8 =	vsel vm2, $0x4, v0  }
0x222: {  	v10 =	vld [tilespmem:s25+$0xFFFFFF60];
	[tilespmem:s23+$0x50] =	vst v7;
	v7 =	vnsel vm0, $0x1, v8;
	vm0 =	vgt.f32 v3, v1;
	vm1 =	vgt.f32 v3, v2  }
0x223: {  	v3 =	vsub.f32 v6, v12;
	v6 =	vld [tilespmem:s25+$0xFFFFFFE0];
	[tilespmem:s23+$0xD0] =	vst v7;
	v7 =	vsel vm1, $0x4, v0  }
0x224: {  	v4 =	vsub.f32 v4, v9;
	v8 =	vld [tilespmem:s25+$0x60];
	v7 =	vnsel vm0, $0x1, v7  }
0x225: {  	vm0 =	vgt.f32 v3, v1;
	vm1 =	vgt.f32 v3, v2;
	v3 =	vld [tilespmem:s25+$0xE0];
	[tilespmem:s23+$0x150] =	vst v7  }
0x226: {  	v7 =	vsel vm1, $0x4, v0;
	vm1 =	vgt.f32 v4, v2;
	v5 =	vsub.f32 v5, v11;
	v9 =	vld [tilespmem:s25+$0x160]  }
0x227: {  	v7 =	vnsel vm0, $0x1, v7;
	vm0 =	vgt.f32 v4, v1;
	v4 =	vsel vm1, $0x4, v0;
	v11 =	vld [tilespmem:s25+$0x1E0]  }
0x228: {  	[tilespmem:s23+$0xFFFFFE60] =	vst v7;
	vm1 =	vgt.f32 v5, v1;
	vm2 =	vgt.f32 v5, v2;
	v5 =	vsub.f32 v6, v10;
	v6 =	vld [tilespmem:s25+$0x260]  }
0x229: {  	v4 =	vnsel vm0, $0x1, v4;
	v7 =	vsel vm2, $0x4, v0;
	v10 =	vld [tilespmem:s25+$0x2E0]  }
0x22a: {  	v12 =	vld [tilespmem:s25+$0xFFFFFC70];
	[tilespmem:s23+$0xFFFFFEE0] =	vst v4;
	vm0 =	vgt.f32 v5, v1;
	vm2 =	vgt.f32 v5, v2;
	v3 =	vsub.f32 v3, v8  }
0x22b: {  	v5 =	vnsel vm1, $0x1, v7;
	v4 =	vld [tilespmem:s25+$0xFFFFFCF0];
	v7 =	vsel vm2, $0x4, v0  }
0x22c: {  	v8 =	vld [tilespmem:s25+$0xFFFFFD70];
	[tilespmem:s23+$0xFFFFFF60] =	vst v5;
	vm1 =	vgt.f32 v3, v1;
	vm2 =	vgt.f32 v3, v2;
	v3 =	vsub.f32 v11, v9  }
0x22d: {  	v7 =	vnsel vm0, $0x1, v7;
	v5 =	vld [tilespmem:s25+$0xFFFFFDF0];
	v9 =	vsel vm2, $0x4, v0  }
0x22e: {  	v11 =	vld [tilespmem:s25+$0xFFFFFE70];
	[tilespmem:s23+$0xFFFFFFE0] =	vst v7;
	vm0 =	vgt.f32 v3, v1;
	vm2 =	vgt.f32 v3, v2;
	v3 =	vsub.f32 v10, v6  }
0x22f: {  	v7 =	vnsel vm1, $0x1, v9;
	v6 =	vld [tilespmem:s25+$0xFFFFFEF0];
	v9 =	vsel vm2, $0x4, v0  }
0x230: {  	v10 =	vld [tilespmem:s25+$0xFFFFFF70];
	[tilespmem:s23+$0x60] =	vst v7;
	v7 =	vnsel vm0, $0x1, v9;
	vm0 =	vgt.f32 v3, v1;
	vm1 =	vgt.f32 v3, v2  }
0x231: {  	v4 =	vsub.f32 v4, v12;
	v9 =	vld [tilespmem:s25+$0xFFFFFFF0];
	[tilespmem:s23+$0xE0] =	vst v7;
	v7 =	vsel vm1, $0x4, v0  }
0x232: {  	v8 =	vsub.f32 v5, v8;
	v3 =	vld [tilespmem:s25+$0x70];
	v7 =	vnsel vm0, $0x1, v7  }
.Ltmp1:
0x233: {  	vm0 =	vgt.f32 v4, v1;
	vm1 =	vgt.f32 v4, v2;
	v5 =	vld [tilespmem:s25+$0xF0];
	[tilespmem:s23+$0x160] =	vst v7;
	(pc) =	sbr.rel @p0 .LBB2_5-.Ltmp1, $4  }
0x234: {  	v7 =	vsel vm1, $0x4, v0;
	vm1 =	vgt.f32 v8, v2;
	v6 =	vsub.f32 v6, v11;
	v4 =	vld [tilespmem:s25+$0x170]  }
0x235: {  	v11 =	vnsel vm0, $0x1, v7;
	vm2 =	vgt.f32 v8, v1;
	v8 =	vsel vm1, $0x4, v0;
	v7 =	vld [tilespmem:s25+$0x1F0]  }
0x236: {  	[tilespmem:s23+$0xFFFFFE70] =	vst v11;
	vm0 =	vgt.f32 v6, v1;
	vm1 =	vgt.f32 v6, v2;
	v9 =	vsub.f32 v9, v10;
	v6 =	vld [tilespmem:s25+$0x270]  }
0x237: {  	v10 =	vnsel vm2, $0x1, v8;
	v11 =	vsel vm1, $0x4, v0;
	v8 =	vld [tilespmem:s25+$0x2F0];
	s25 =	sadd.s32 $0x800, s25  }
0x238: {  	_ = 	snop  }
0x239: {  	v3 =	vsub.f32 v5, v3  }
0x23a: {  	vm1 =	vgt.f32 v9, v1;
	vm2 =	vgt.f32 v9, v2;
	v61 =	vnsel vm0, $0x1, v11  }
0x23b: {  	v9 =	vsel vm2, $0x4, v0;
	vm10 =	vgt.f32 v3, v1;
	v4 =	vsub.f32 v7, v4  }
0x23c: {  	[tilespmem:s23+$0xFFFFFEF0] =	vst v10;
	s21 =	sadd.s32 $0x1, s21;
	vm11 =	vgt.f32 v3, v2;
	v3 =	vnsel vm1, $0x1, v9;
	v6 =	vsub.f32 v8, v6  }
0x23d: {  	[tilespmem:s23+$0xFFFFFF70] =	vst v61;
	p0 =	sne.s32 s21, $0x8;
	v62 =	vsel vm11, $0x4, v0;
	vm12 =	vgt.f32 v4, v1;
	vm13 =	vgt.f32 v4, v2  }
.Ltmp2:
0x23e: {  	[tilespmem:s23+$0xFFFFFFF0] =	vst v3;
	v3 =	vnsel vm10, $0x1, v62;
	v4 =	vsel vm13, $0x4, v0;
	vm14 =	vgt.f32 v6, v2;
	(pc) =	sbr.rel @p0 .LBB2_2-.Ltmp2, $4  }
0x23f: {  	[tilespmem:s23+$0x70] =	vst v3;
	vm15 =	vgt.f32 v6, v1;
	v3 =	vnsel vm12, $0x1, v4;
	v63 =	vsel vm14, $0x4, v0  }
0x240: {  	s22 =	sshrl.u32 s22, $0x3;
	[tilespmem:s23+$0xF0] =	vst v3;
	v3 =	vnsel vm15, $0x1, v63  }
0x241: {  	s22 =	sadd.s32 s5, s22;
	[tilespmem:s23+$0x170] =	vst v3  }
0x242: {  	[hbm4b:s22+s3] =	stream.linear.scatter [tilespmem:s17], [sflag:$0x4], $0x4000, $0x38;
	[tilespmem:$0x18100] =	vst v63  }
0x243: {  	s20 =	sadd.s32 $0x1, s20  }
0x244: {  	_ =	swait.ge [sflag:s18], $0x4000;
	p0 =	sne.s32 s20, s9  }
.Ltmp3:
0x245: {  	[sflag:s18] =	ssyncset.done $0x0;
	(pc) =	sbr.rel @p0 .LBB2_1-.Ltmp3, $4  }
0x246: {  	[sflag:s18] =	ssyncadd.s32 $0xFFFFC000  }
0x247: {  	_ =	swait.ge [sflag:s19], $0x4000  }
0x248: {  	[sflag:s19] =	ssyncset.done $0x0  }
0x249: {  	[sflag:s19] =	ssyncadd.s32 $0xFFFFC000  }
0x24a: {  	_ =	sfence.sel $0x180000  }
0x24b: {  	[bflag:$0x0] =	sbarrier.arrive $0xFFFF  }
0x24c: {  	p0 =	sne.s32 s2, $0x0;
	_ =	strace $0x90000047  }
0x24d: {  	s0 =	sadd.s32 @!p0 $0x100000, s0;
	[bflag:$0x2] =	sbarrier.arrive $0xFFFF  }
0x24e: {  	[sflag:s0] =	ssyncadd.tile.s32 @!p0 $0x1;
	_ =	shalt  }
.Lfunc_end2:
_tile_overlayer_lowered:
.L_overlay_start_2:
0x24f: {  	(tag) =	ssettag $0x2  }
0x250: {  	s0 =	rddreg [dreg:$0x0];
	s2 =	stileid.u32  }
0x251: {  	s1 =	rddreg [dreg:$0x1];
	p0 =	sne.s32 s2, $0x0  }
0x252: {  	s3 =	rddreg [dreg:$0x2];
	[bflag:$0x3] =	sbarrier.arrive $0xFFFF;
	s2 =	simm.s32 @!p0 $0x1C05  }
0x253: {  	[timem:s3], [sflag:s2] =	dma.local @!p0 [hbm:s0], s1  }
0x254: {  	s0 =	simm.s32 @!p0 $0x5  }
0x255: {  	_ =	swait.ge @!p0 [sflag:s0], s1  }
0x256: {  	s1 =	ssub.s32 @!p0 $0x0, s1;
	[sflag:s0] =	ssyncset.done @!p0 $0x0  }
0x257: {  	[sflag:s0] =	ssyncadd.s32 @!p0 s1  }
0x258: {  	[bflag:$0x3] =	sbarrier.arrive $0xFFFF  }
0x259: {  	_ =	shalt  }

</sc_bundles>
